<compile_context>
chip_gen: v7x
topology: tpu7x:2x2x1
jax: 0.10.2.dev20260603
libtpu: 0.0.44.dev20260713+nightly
codegen_flags: <defaults>
</compile_context>

<pallas_src>
import functools

import jax
import jax.numpy as jnp
from jax.experimental import pallas as pl
from jax.experimental.pallas import tpu as pltpu
from jax.experimental.pallas import tpu_sc as plsc

_N = 32768
_C = 64
_K = 4096
_KR = 4096
_BN = 512


def _byte_planes(table):
    tu = jax.lax.bitcast_convert_type(table, jnp.int32)
    planes = [(((tu >> s) & 0xFF) - 128).astype(jnp.int8)
              for s in (0, 8, 16, 24)]
    return jnp.concatenate(planes, axis=1)


def _exact_gather(planes, idx, k):
    n = idx.shape[0]
    iota = jax.lax.broadcasted_iota(jnp.int32, (n, k), 1)
    onehot = (iota == idx[:, None]).astype(jnp.int8)
    g = jax.lax.dot_general(onehot, planes, (((1,), (0,)), ((), ())),
                            preferred_element_type=jnp.int32) + 128
    acc = g[:, 0:_C]
    acc = acc | (g[:, _C:2 * _C] << 8)
    acc = acc | (g[:, 2 * _C:3 * _C] << 16)
    acc = acc | (g[:, 3 * _C:4 * _C] << 24)
    return jax.lax.bitcast_convert_type(acc, jnp.float32)


_W = 128


def _argmin_scan(x_sq, xc2, csq, k):
    n = x_sq.shape[0]
    best = jnp.full((n, _W), jnp.inf, jnp.float32)
    bests = jnp.zeros((n, _W), jnp.int32)
    for s in range(k // _W):
        d_s = (x_sq + xc2[:, s * _W:(s + 1) * _W]) + csq[:, s * _W:(s + 1) * _W]
        cond = d_s < best
        best = jnp.where(cond, d_s, best)
        bests = jnp.where(cond, s, bests)
    mind = jnp.min(best, axis=1, keepdims=True)
    lane = jax.lax.broadcasted_iota(jnp.int32, (n, _W), 1)
    cand = jnp.where(best == mind, bests * _W + lane, k)
    return jnp.min(cand, axis=1)


def _rvq_body(x_ref, cbm2_ref, rcbm2_ref, cbsq_ref, rcbsq_ref,
              cbpl_ref,
              quant_ref, idx_ref, idxr_ref,
              r_buf):
    i = pl.program_id(0)

    r = r_buf[(i + 1) % 2]
    r_sq = jnp.sum(r * r, axis=1, keepdims=True)
    rc2 = jax.lax.dot_general(r, rcbm2_ref[...], (((1,), (1,)), ((), ())),
                              preferred_element_type=jnp.float32)
    idx2 = _argmin_scan(r_sq, rc2, rcbsq_ref[...], _KR)
    idxr_ref[...] = idx2[:, None]

    x = x_ref[...]
    x_sq = jnp.sum(x * x, axis=1, keepdims=True)
    xc2 = jax.lax.dot_general(x, cbm2_ref[...], (((1,), (1,)), ((), ())),
                              preferred_element_type=jnp.float32)
    idx = _argmin_scan(x_sq, xc2, cbsq_ref[...], _K)
    quant = _exact_gather(cbpl_ref[...], idx, _K)
    quant_ref[...] = quant
    idx_ref[...] = idx[:, None]
    r_buf[i % 2] = x - quant


_NC = 2
_NS = 16
_NW = _NC * _NS
_BPW = _N // _NW


_CP = 128
_CH = 512


def _sc_gather(table_pad, idx):
    n = idx.shape[0]
    bpw = n // _NW
    mesh = plsc.VectorSubcoreMesh(core_axis_name="c", subcore_axis_name="s")

    @functools.partial(
        pl.kernel, mesh=mesh,
        out_type=jax.ShapeDtypeStruct((n, _CP), jnp.float32),
        scratch_types=[
            pltpu.VMEM((_CH,), jnp.int32),
            pltpu.VMEM((_CH, _CP), jnp.float32),
            pltpu.SemaphoreType.DMA,
        ],
    )
    def k(table_hbm, idx_hbm, out_hbm, idx_v, rows_v, sem):
        wid = jax.lax.axis_index("s") * _NC + jax.lax.axis_index("c")
        for c in range(bpw // _CH):
            base = wid * bpw + c * _CH
            pltpu.sync_copy(idx_hbm.at[pl.ds(base, _CH)], idx_v)
            pltpu.async_copy(table_hbm.at[idx_v], rows_v, sem).wait()
            pltpu.sync_copy(rows_v, out_hbm.at[pl.ds(base, _CH)])

    return k(table_pad, idx)


def _tc_half(x_h, cbm2, rcbm2, cbsq, rcbsq, cbpl):
    n = x_h.shape[0]
    nb = n // _BN
    s1 = lambda i: (jnp.minimum(i, nb - 1), 0)
    s2 = lambda i: (jnp.maximum(i - 1, 0), 0)
    const = lambda i: (0, 0)
    return pl.pallas_call(
        _rvq_body,
        grid=(nb + 1,),
        in_specs=[
            pl.BlockSpec((_BN, _C), s1),
            pl.BlockSpec((_K, _C), const),
            pl.BlockSpec((_KR, _C), const),
            pl.BlockSpec((1, _K), const),
            pl.BlockSpec((1, _KR), const),
            pl.BlockSpec((_K, 4 * _C), const),
        ],
        out_specs=[
            pl.BlockSpec((_BN, _C), s1),
            pl.BlockSpec((_BN, 1), s1),
            pl.BlockSpec((_BN, 1), s2),
        ],
        out_shape=[
            jax.ShapeDtypeStruct((n, _C), jnp.float32),
            jax.ShapeDtypeStruct((n, 1), jnp.int32),
            jax.ShapeDtypeStruct((n, 1), jnp.int32),
        ],
        scratch_shapes=[pltpu.VMEM((2, _BN, _C), jnp.float32)],
    )(x_h, cbm2, rcbm2, cbsq, rcbsq, cbpl)


def kernel(x, codebook, residual_codebook):
    cbm2 = -2.0 * codebook
    rcbm2 = -2.0 * residual_codebook
    cbsq = jnp.sum(codebook * codebook, axis=1)[None, :]
    rcbsq = jnp.sum(residual_codebook * residual_codebook, axis=1)[None, :]
    cbpl = _byte_planes(codebook)
    rcb_pad = jnp.pad(residual_codebook, ((0, 0), (0, _CP - _C)))

    quant, idx, idx_r = _tc_half(x, cbm2, rcbm2, cbsq, rcbsq, cbpl)
    idx_r = idx_r[:, 0]
    quant_r = _sc_gather(rcb_pad, idx_r)[:, :_C]
    return (quant, idx[:, 0], quant_r, idx_r)

# --- scband reference (transcript-rebuilt; emitter-appended) ---
"""Pipeline reference for scband-residual-quantize-65000035057700 (READ-ONLY COPY).

The authoritative reference and input builder live on the scoring server;
editing this copy changes nothing except your own understanding.
"""

import jax, jax.numpy as jnp
import numpy as np
import math

N = 32768
C = 64
K = 4096
KR = 4096


def weighted_distance(x, codebook):
    # squared euclidean distance nearest-neighbor search
    x_sq = jnp.sum(x * x, axis=1, keepdims=True)          # [N, 1]
    c_sq = jnp.sum(codebook * codebook, axis=1)           # [K]
    dists = x_sq - 2.0 * (x @ codebook.T) + c_sq[None, :] # [N, K]
    idx = jnp.argmin(dists, axis=1)
    min_dists = jnp.take_along_axis(dists, idx[:, None], axis=1)[:, 0]
    return min_dists, idx


def setup_inputs(seed: int = 0) -> dict:
    key = jax.random.key(seed)
    k_x, k_cb, k_rcb = jax.random.split(key, 3)
    x = jax.random.normal(k_x, (N, C), dtype=jnp.float32)
    # kaiming_uniform_ init: fan_in = C, bound = sqrt(6 / fan_in)
    bound = math.sqrt(6.0 / C)
    codebook = jax.random.uniform(k_cb, (K, C), dtype=jnp.float32, minval=-bound, maxval=bound)
    residual_codebook = jax.random.uniform(k_rcb, (KR, C), dtype=jnp.float32, minval=-bound, maxval=bound)
    return {"x": x, "codebook": codebook, "residual_codebook": residual_codebook}


def reference(x, codebook, residual_codebook):
    # forward(x, return_dists=False)
    min_dists, idx = weighted_distance(x, codebook)
    quant = jnp.take(codebook, idx, axis=0)
    residuals = x - quant
    min_dists_residual, idx_residual = weighted_distance(residuals, residual_codebook)
    quant_residual = jnp.take(residual_codebook, idx_residual, axis=0)
    return (quant, idx, quant_residual, idx_residual)

if __name__ == "__main__":
    import jax
    _d = setup_inputs()
    print(jax.jit(kernel)(*tuple(_d.values())))

</pallas_src>

<mosaic_0001>
#map = affine_map<(d0, d1) -> (0, 0)>
#map1 = affine_map<(d0, d1) -> (0)>
module attributes {stable_mosaic.version = 14 : i64} {
  func.func @k(%arg0: i32, %arg1: i32, %arg2: memref<4096x128xf32, #tpu.memory_space<hbm>>, %arg3: memref<32768xi32, #tpu.memory_space<hbm>>, %arg4: memref<32768x128xf32, #tpu.memory_space<hbm>>, %arg5: memref<512xi32, #tpu.memory_space<vmem>>, %arg6: memref<512x128xf32, #tpu.memory_space<vmem>>, %arg7: memref<!tpu.dma_semaphore, #tpu.memory_space<semaphore_mem>>) attributes {dimension_semantics = [#tpu.dimension_semantics<core_parallel>, #tpu.dimension_semantics<subcore_parallel>], iteration_bounds = array<i64: 2, 16>, scalar_prefetch = 0 : i64, scratch_operands = 3 : i64, tpu.core_type = #tpu.core_type<sc_vector_subcore>, window_params = [{transform_indices = #map}, {transform_indices = #map1}, {transform_indices = #map}]} {
    %mul3A = arith.constant 2 : i32
    %mul3A_0 = arith.muli %arg1, %mul3A : i32
    %add3A = arith.addi %mul3A_0, %arg0 : i32
    %mul3A_1 = arith.constant 1024 : i32
    %mul3A_2 = arith.muli %add3A, %mul3A_1 : i32
    %add3A_3 = arith.constant 0 : i32
    %add3A_4 = arith.addi %mul3A_2, %add3A_3 : i32
    "tpu.region"() ({
      %run_scoped3A = tpu.sem_alloc : memref<!tpu.dma_semaphore, #tpu.memory_space<semaphore_mem>>
      %dma_start3A_19 = tpu.memref_slice %arg3[%add3A_4] : memref<32768xi32, #tpu.memory_space<hbm>> -> memref<512xi32, #tpu.memory_space<hbm>>
      %dma_start3A_20 = tpu.memref_slice %arg3[%add3A_4] : memref<32768xi32, #tpu.memory_space<hbm>> -> memref<512xi32, #tpu.memory_space<hbm>>
      tpu.enqueue_dma source(%dma_start3A_20 : memref<512xi32, #tpu.memory_space<hbm>>) target(%arg5 : memref<512xi32, #tpu.memory_space<vmem>>) target_semaphore(%run_scoped3A : memref<!tpu.dma_semaphore, #tpu.memory_space<semaphore_mem>>)
      %dma_wait3A_21 = tpu.memref_slice %arg3[%add3A_4] : memref<32768xi32, #tpu.memory_space<hbm>> -> memref<512xi32, #tpu.memory_space<hbm>>
      %dma_wait3A_22 = tpu.memref_slice %arg3[%add3A_4] : memref<32768xi32, #tpu.memory_space<hbm>> -> memref<512xi32, #tpu.memory_space<hbm>>
      tpu.wait_dma2 semaphore(%run_scoped3A : memref<!tpu.dma_semaphore, #tpu.memory_space<semaphore_mem>>) src(%dma_wait3A_22 : memref<512xi32, #tpu.memory_space<hbm>>) dst(%arg5 : memref<512xi32, #tpu.memory_space<vmem>>)
      tpu.yield
    }) : () -> ()
    %dma_start3A = arith.constant 0 : i32
    %dma_start3A_5 = arith.constant 0 : i32
    %dma_start3A_6 = tpu.memref_slice %arg2[%dma_start3A, %dma_start3A_5] : memref<4096x128xf32, #tpu.memory_space<hbm>> -> memref<4096x128xf32, #tpu.memory_space<hbm>>
    tpu.enqueue_indirect_dma source(%dma_start3A_6 : memref<4096x128xf32, #tpu.memory_space<hbm>>) target(%arg6 : memref<512x128xf32, #tpu.memory_space<vmem>>) offsets(%arg5 : memref<512xi32, #tpu.memory_space<vmem>>) semaphore(%arg7 : memref<!tpu.dma_semaphore, #tpu.memory_space<semaphore_mem>>)
    %dma_wait3A = arith.constant 0 : i32
    %dma_wait3A_7 = arith.constant 0 : i32
    %dma_wait3A_8 = tpu.memref_slice %arg2[%dma_wait3A, %dma_wait3A_7] : memref<4096x128xf32, #tpu.memory_space<hbm>> -> memref<4096x128xf32, #tpu.memory_space<hbm>>
    tpu.wait_indirect_dma semaphore(%arg7 : memref<!tpu.dma_semaphore, #tpu.memory_space<semaphore_mem>>) src(%dma_wait3A_8 : memref<4096x128xf32, #tpu.memory_space<hbm>>) dst(%arg6 : memref<512x128xf32, #tpu.memory_space<vmem>>)
    "tpu.region"() ({
      %run_scoped3A = tpu.sem_alloc : memref<!tpu.dma_semaphore, #tpu.memory_space<semaphore_mem>>
      %dma_start3A_19 = arith.constant 0 : i32
      %dma_start3A_20 = tpu.memref_slice %arg4[%add3A_4, %dma_start3A_19] : memref<32768x128xf32, #tpu.memory_space<hbm>> -> memref<512x128xf32, #tpu.memory_space<hbm>>
      %dma_start3A_21 = arith.constant 0 : i32
      %dma_start3A_22 = tpu.memref_slice %arg4[%add3A_4, %dma_start3A_21] : memref<32768x128xf32, #tpu.memory_space<hbm>> -> memref<512x128xf32, #tpu.memory_space<hbm>>
      tpu.enqueue_dma source(%arg6 : memref<512x128xf32, #tpu.memory_space<vmem>>) target(%dma_start3A_22 : memref<512x128xf32, #tpu.memory_space<hbm>>) target_semaphore(%run_scoped3A : memref<!tpu.dma_semaphore, #tpu.memory_space<semaphore_mem>>)
      %dma_wait3A_23 = arith.constant 0 : i32
      %dma_wait3A_24 = tpu.memref_slice %arg4[%add3A_4, %dma_wait3A_23] : memref<32768x128xf32, #tpu.memory_space<hbm>> -> memref<512x128xf32, #tpu.memory_space<hbm>>
      %dma_wait3A_25 = arith.constant 0 : i32
      %dma_wait3A_26 = tpu.memref_slice %arg4[%add3A_4, %dma_wait3A_25] : memref<32768x128xf32, #tpu.memory_space<hbm>> -> memref<512x128xf32, #tpu.memory_space<hbm>>
      tpu.wait_dma2 semaphore(%run_scoped3A : memref<!tpu.dma_semaphore, #tpu.memory_space<semaphore_mem>>) src(%arg6 : memref<512x128xf32, #tpu.memory_space<vmem>>) dst(%dma_wait3A_26 : memref<512x128xf32, #tpu.memory_space<hbm>>)
      tpu.yield
    }) : () -> ()
    %mul3A_9 = arith.constant 1024 : i32
    %mul3A_10 = arith.muli %add3A, %mul3A_9 : i32
    %add3A_11 = arith.constant 512 : i32
    %add3A_12 = arith.addi %mul3A_10, %add3A_11 : i32
    "tpu.region"() ({
      %run_scoped3A = tpu.sem_alloc : memref<!tpu.dma_semaphore, #tpu.memory_space<semaphore_mem>>
      %dma_start3A_19 = tpu.memref_slice %arg3[%add3A_12] : memref<32768xi32, #tpu.memory_space<hbm>> -> memref<512xi32, #tpu.memory_space<hbm>>
      %dma_start3A_20 = tpu.memref_slice %arg3[%add3A_12] : memref<32768xi32, #tpu.memory_space<hbm>> -> memref<512xi32, #tpu.memory_space<hbm>>
      tpu.enqueue_dma source(%dma_start3A_20 : memref<512xi32, #tpu.memory_space<hbm>>) target(%arg5 : memref<512xi32, #tpu.memory_space<vmem>>) target_semaphore(%run_scoped3A : memref<!tpu.dma_semaphore, #tpu.memory_space<semaphore_mem>>)
      %dma_wait3A_21 = tpu.memref_slice %arg3[%add3A_12] : memref<32768xi32, #tpu.memory_space<hbm>> -> memref<512xi32, #tpu.memory_space<hbm>>
      %dma_wait3A_22 = tpu.memref_slice %arg3[%add3A_12] : memref<32768xi32, #tpu.memory_space<hbm>> -> memref<512xi32, #tpu.memory_space<hbm>>
      tpu.wait_dma2 semaphore(%run_scoped3A : memref<!tpu.dma_semaphore, #tpu.memory_space<semaphore_mem>>) src(%dma_wait3A_22 : memref<512xi32, #tpu.memory_space<hbm>>) dst(%arg5 : memref<512xi32, #tpu.memory_space<vmem>>)
      tpu.yield
    }) : () -> ()
    %dma_start3A_13 = arith.constant 0 : i32
    %dma_start3A_14 = arith.constant 0 : i32
    %dma_start3A_15 = tpu.memref_slice %arg2[%dma_start3A_13, %dma_start3A_14] : memref<4096x128xf32, #tpu.memory_space<hbm>> -> memref<4096x128xf32, #tpu.memory_space<hbm>>
    tpu.enqueue_indirect_dma source(%dma_start3A_15 : memref<4096x128xf32, #tpu.memory_space<hbm>>) target(%arg6 : memref<512x128xf32, #tpu.memory_space<vmem>>) offsets(%arg5 : memref<512xi32, #tpu.memory_space<vmem>>) semaphore(%arg7 : memref<!tpu.dma_semaphore, #tpu.memory_space<semaphore_mem>>)
    %dma_wait3A_16 = arith.constant 0 : i32
    %dma_wait3A_17 = arith.constant 0 : i32
    %dma_wait3A_18 = tpu.memref_slice %arg2[%dma_wait3A_16, %dma_wait3A_17] : memref<4096x128xf32, #tpu.memory_space<hbm>> -> memref<4096x128xf32, #tpu.memory_space<hbm>>
    tpu.wait_indirect_dma semaphore(%arg7 : memref<!tpu.dma_semaphore, #tpu.memory_space<semaphore_mem>>) src(%dma_wait3A_18 : memref<4096x128xf32, #tpu.memory_space<hbm>>) dst(%arg6 : memref<512x128xf32, #tpu.memory_space<vmem>>)
    "tpu.region"() ({
      %run_scoped3A = tpu.sem_alloc : memref<!tpu.dma_semaphore, #tpu.memory_space<semaphore_mem>>
      %dma_start3A_19 = arith.constant 0 : i32
      %dma_start3A_20 = tpu.memref_slice %arg4[%add3A_12, %dma_start3A_19] : memref<32768x128xf32, #tpu.memory_space<hbm>> -> memref<512x128xf32, #tpu.memory_space<hbm>>
      %dma_start3A_21 = arith.constant 0 : i32
      %dma_start3A_22 = tpu.memref_slice %arg4[%add3A_12, %dma_start3A_21] : memref<32768x128xf32, #tpu.memory_space<hbm>> -> memref<512x128xf32, #tpu.memory_space<hbm>>
      tpu.enqueue_dma source(%arg6 : memref<512x128xf32, #tpu.memory_space<vmem>>) target(%dma_start3A_22 : memref<512x128xf32, #tpu.memory_space<hbm>>) target_semaphore(%run_scoped3A : memref<!tpu.dma_semaphore, #tpu.memory_space<semaphore_mem>>)
      %dma_wait3A_23 = arith.constant 0 : i32
      %dma_wait3A_24 = tpu.memref_slice %arg4[%add3A_12, %dma_wait3A_23] : memref<32768x128xf32, #tpu.memory_space<hbm>> -> memref<512x128xf32, #tpu.memory_space<hbm>>
      %dma_wait3A_25 = arith.constant 0 : i32
      %dma_wait3A_26 = tpu.memref_slice %arg4[%add3A_12, %dma_wait3A_25] : memref<32768x128xf32, #tpu.memory_space<hbm>> -> memref<512x128xf32, #tpu.memory_space<hbm>>
      tpu.wait_dma2 semaphore(%run_scoped3A : memref<!tpu.dma_semaphore, #tpu.memory_space<semaphore_mem>>) src(%arg6 : memref<512x128xf32, #tpu.memory_space<vmem>>) dst(%dma_wait3A_26 : memref<512x128xf32, #tpu.memory_space<hbm>>)
      tpu.yield
    }) : () -> ()
    return
  }
}

module attributes {stable_mosaic.version = 14 : i64} {
  func.func @_rvq_body(%arg0: i32, %arg1: memref<512x64xf32, #tpu.memory_space<vmem>>, %arg2: memref<4096x64xf32, #tpu.memory_space<vmem>>, %arg3: memref<4096x64xf32, #tpu.memory_space<vmem>>, %arg4: memref<1x4096xf32, #tpu.memory_space<vmem>>, %arg5: memref<1x4096xf32, #tpu.memory_space<vmem>>, %arg6: memref<4096x256xi8, #tpu.memory_space<vmem>>, %arg7: memref<512x64xf32, #tpu.memory_space<vmem>>, %arg8: memref<512x1xi32, #tpu.memory_space<vmem>>, %arg9: memref<512x1xi32, #tpu.memory_space<vmem>>, %arg10: memref<2x512x64xf32, #tpu.memory_space<vmem>>) attributes {dimension_semantics = [#tpu.dimension_semantics<arbitrary>], iteration_bounds = array<i64: 65>, scalar_prefetch = 0 : i64, scratch_operands = 1 : i64, tpu.core_type = #tpu.core_type<tc>, window_params = [{transform_indices = @transform_0, window_bounds = array<i64: 512, 64>}, {pipeline_mode = #tpu.pipeline_mode<synchronous>, transform_indices = @transform_1, window_bounds = array<i64: 4096, 64>}, {pipeline_mode = #tpu.pipeline_mode<synchronous>, transform_indices = @transform_2, window_bounds = array<i64: 4096, 64>}, {pipeline_mode = #tpu.pipeline_mode<synchronous>, transform_indices = @transform_3, window_bounds = array<i64: 1, 4096>}, {pipeline_mode = #tpu.pipeline_mode<synchronous>, transform_indices = @transform_4, window_bounds = array<i64: 1, 4096>}, {pipeline_mode = #tpu.pipeline_mode<synchronous>, transform_indices = @transform_5, window_bounds = array<i64: 4096, 256>}, {transform_indices = @transform_6, window_bounds = array<i64: 512, 64>}, {transform_indices = @transform_7, window_bounds = array<i64: 512, 1>}, {transform_indices = @transform_8, window_bounds = array<i64: 512, 1>}]} {
    %add3A = arith.constant 1 : i32
    %add3A_0 = arith.addi %arg0, %add3A : i32
    %jit3A = arith.constant 2 : i32
    %eq3A = arith.constant 0 : i32
    %eq3A_1 = arith.cmpi eq, %jit3A, %eq3A : i32
    %jit3A_2 = arith.constant 1 : i32
    %select_n3A = arith.select %eq3A_1, %jit3A_2, %jit3A : i32
    %rem3A = arith.remsi %add3A_0, %select_n3A : i32
    %ne3A = arith.constant 0 : i32
    %ne3A_3 = arith.cmpi ne, %rem3A, %ne3A : i32
    %lt3A = arith.constant 0 : i32
    %lt3A_4 = arith.cmpi slt, %rem3A, %lt3A : i32
    %lt3A_5 = arith.constant 0 : i32
    %lt3A_6 = arith.cmpi slt, %select_n3A, %lt3A_5 : i32
    %ne3A_7 = arith.xori %lt3A_4, %lt3A_6 : i1
    %and3A = arith.andi %ne3A_7, %ne3A_3 : i1
    %add3A_8 = arith.addi %rem3A, %select_n3A : i32
    %select_n3A_9 = arith.select %and3A, %add3A_8, %rem3A : i32
    %get3A = arith.index_cast %select_n3A_9 : i32 to index
    %get3A_10 = arith.constant 0 : index
    %get3A_11 = arith.constant 0 : index
    %get3A_12 = vector.load %arg10[%get3A, %get3A_10, %get3A_11] : memref<2x512x64xf32, #tpu.memory_space<vmem>>, vector<1x512x64xf32>
    %get3A_13 = vector.shape_cast %get3A_12 : vector<1x512x64xf32> to vector<512x64xf32>
    %mul3A = arith.mulf %get3A_13, %get3A_13 : vector<512x64xf32>
    %reduce_sum3A = arith.constant dense<0.000000e+00> : vector<512xf32>
    %reduce_sum3A_14 = vector.multi_reduction <add>, %mul3A, %reduce_sum3A [1] : vector<512x64xf32> to vector<512xf32>
    %broadcast_in_dim3A = vector.shape_cast %reduce_sum3A_14 : vector<512xf32> to vector<512x1xf32>
    %get3A_15 = arith.constant 0 : index
    %get3A_16 = arith.constant 0 : index
    %get3A_17 = vector.load %arg3[%get3A_15, %get3A_16] : memref<4096x64xf32, #tpu.memory_space<vmem>>, vector<4096x64xf32>
    %dot_general3A = arith.constant dense<0.000000e+00> : vector<512x4096xf32>
    %dot_general3A_18 = tpu.matmul %get3A_13, %get3A_17, %dot_general3A {dimension_numbers = #tpu.dot_dimension_numbers<[1], [1], [0], [0], [0, 0, 1, 0], [], []>, transpose_lhs_hint = false} : vector<512x64xf32>, vector<4096x64xf32>, vector<512x4096xf32> -> vector<512x4096xf32>
    %get3A_19 = arith.constant 0 : index
    %get3A_20 = arith.constant 0 : index
    %get3A_21 = vector.load %arg5[%get3A_19, %get3A_20] : memref<1x4096xf32, #tpu.memory_space<vmem>>, vector<1x4096xf32>
    %broadcast_in_dim3A_22 = arith.constant 0x7F800000 : f32
    %broadcast_in_dim3A_23 = vector.broadcast %broadcast_in_dim3A_22 : f32 to vector<512x128xf32>
    %broadcast_in_dim3A_24 = arith.constant 0 : i32
    %broadcast_in_dim3A_25 = vector.broadcast %broadcast_in_dim3A_24 : i32 to vector<512x128xi32>
    %slice3A = vector.extract_strided_slice %dot_general3A_18 {offsets = [0, 0], sizes = [512, 128], strides = [1, 1]} : vector<512x4096xf32> to vector<512x128xf32>
    %add3A_26 = vector.broadcast %broadcast_in_dim3A : vector<512x1xf32> to vector<512x128xf32>
    %add3A_27 = arith.addf %add3A_26, %slice3A : vector<512x128xf32>
    %slice3A_28 = vector.extract_strided_slice %get3A_21 {offsets = [0, 0], sizes = [1, 128], strides = [1, 1]} : vector<1x4096xf32> to vector<1x128xf32>
    %add3A_29 = vector.broadcast %slice3A_28 : vector<1x128xf32> to vector<512x128xf32>
    %add3A_30 = arith.addf %add3A_27, %add3A_29 : vector<512x128xf32>
    %lt3A_31 = arith.cmpf olt, %add3A_30, %broadcast_in_dim3A_23 : vector<512x128xf32>
    %select_n3A_32 = arith.select %lt3A_31, %add3A_30, %broadcast_in_dim3A_23 : vector<512x128xi1>, vector<512x128xf32>
    %jit3A_33 = arith.constant 0 : i32
    %broadcast_in_dim3A_34 = vector.broadcast %jit3A_33 : i32 to vector<512x128xi32>
    %select_n3A_35 = arith.select %lt3A_31, %broadcast_in_dim3A_34, %broadcast_in_dim3A_25 : vector<512x128xi1>, vector<512x128xi32>
    %slice3A_36 = vector.extract_strided_slice %dot_general3A_18 {offsets = [0, 128], sizes = [512, 128], strides = [1, 1]} : vector<512x4096xf32> to vector<512x128xf32>
    %add3A_37 = vector.broadcast %broadcast_in_dim3A : vector<512x1xf32> to vector<512x128xf32>
    %add3A_38 = arith.addf %add3A_37, %slice3A_36 : vector<512x128xf32>
    %slice3A_39 = vector.extract_strided_slice %get3A_21 {offsets = [0, 128], sizes = [1, 128], strides = [1, 1]} : vector<1x4096xf32> to vector<1x128xf32>
    %add3A_40 = vector.broadcast %slice3A_39 : vector<1x128xf32> to vector<512x128xf32>
    %add3A_41 = arith.addf %add3A_38, %add3A_40 : vector<512x128xf32>
    %lt3A_42 = arith.cmpf olt, %add3A_41, %select_n3A_32 : vector<512x128xf32>
    %select_n3A_43 = arith.select %lt3A_42, %add3A_41, %select_n3A_32 : vector<512x128xi1>, vector<512x128xf32>
    %jit3A_44 = arith.constant 1 : i32
    %broadcast_in_dim3A_45 = vector.broadcast %jit3A_44 : i32 to vector<512x128xi32>
    %select_n3A_46 = arith.select %lt3A_42, %broadcast_in_dim3A_45, %select_n3A_35 : vector<512x128xi1>, vector<512x128xi32>
    %slice3A_47 = vector.extract_strided_slice %dot_general3A_18 {offsets = [0, 256], sizes = [512, 128], strides = [1, 1]} : vector<512x4096xf32> to vector<512x128xf32>
    %add3A_48 = vector.broadcast %broadcast_in_dim3A : vector<512x1xf32> to vector<512x128xf32>
    %add3A_49 = arith.addf %add3A_48, %slice3A_47 : vector<512x128xf32>
    %slice3A_50 = vector.extract_strided_slice %get3A_21 {offsets = [0, 256], sizes = [1, 128], strides = [1, 1]} : vector<1x4096xf32> to vector<1x128xf32>
    %add3A_51 = vector.broadcast %slice3A_50 : vector<1x128xf32> to vector<512x128xf32>
    %add3A_52 = arith.addf %add3A_49, %add3A_51 : vector<512x128xf32>
    %lt3A_53 = arith.cmpf olt, %add3A_52, %select_n3A_43 : vector<512x128xf32>
    %select_n3A_54 = arith.select %lt3A_53, %add3A_52, %select_n3A_43 : vector<512x128xi1>, vector<512x128xf32>
    %jit3A_55 = arith.constant 2 : i32
    %broadcast_in_dim3A_56 = vector.broadcast %jit3A_55 : i32 to vector<512x128xi32>
    %select_n3A_57 = arith.select %lt3A_53, %broadcast_in_dim3A_56, %select_n3A_46 : vector<512x128xi1>, vector<512x128xi32>
    %slice3A_58 = vector.extract_strided_slice %dot_general3A_18 {offsets = [0, 384], sizes = [512, 128], strides = [1, 1]} : vector<512x4096xf32> to vector<512x128xf32>
    %add3A_59 = vector.broadcast %broadcast_in_dim3A : vector<512x1xf32> to vector<512x128xf32>
    %add3A_60 = arith.addf %add3A_59, %slice3A_58 : vector<512x128xf32>
    %slice3A_61 = vector.extract_strided_slice %get3A_21 {offsets = [0, 384], sizes = [1, 128], strides = [1, 1]} : vector<1x4096xf32> to vector<1x128xf32>
    %add3A_62 = vector.broadcast %slice3A_61 : vector<1x128xf32> to vector<512x128xf32>
    %add3A_63 = arith.addf %add3A_60, %add3A_62 : vector<512x128xf32>
    %lt3A_64 = arith.cmpf olt, %add3A_63, %select_n3A_54 : vector<512x128xf32>
    %select_n3A_65 = arith.select %lt3A_64, %add3A_63, %select_n3A_54 : vector<512x128xi1>, vector<512x128xf32>
    %jit3A_66 = arith.constant 3 : i32
    %broadcast_in_dim3A_67 = vector.broadcast %jit3A_66 : i32 to vector<512x128xi32>
    %select_n3A_68 = arith.select %lt3A_64, %broadcast_in_dim3A_67, %select_n3A_57 : vector<512x128xi1>, vector<512x128xi32>
    %slice3A_69 = vector.extract_strided_slice %dot_general3A_18 {offsets = [0, 512], sizes = [512, 128], strides = [1, 1]} : vector<512x4096xf32> to vector<512x128xf32>
    %add3A_70 = vector.broadcast %broadcast_in_dim3A : vector<512x1xf32> to vector<512x128xf32>
    %add3A_71 = arith.addf %add3A_70, %slice3A_69 : vector<512x128xf32>
    %slice3A_72 = vector.extract_strided_slice %get3A_21 {offsets = [0, 512], sizes = [1, 128], strides = [1, 1]} : vector<1x4096xf32> to vector<1x128xf32>
    %add3A_73 = vector.broadcast %slice3A_72 : vector<1x128xf32> to vector<512x128xf32>
    %add3A_74 = arith.addf %add3A_71, %add3A_73 : vector<512x128xf32>
    %lt3A_75 = arith.cmpf olt, %add3A_74, %select_n3A_65 : vector<512x128xf32>
    %select_n3A_76 = arith.select %lt3A_75, %add3A_74, %select_n3A_65 : vector<512x128xi1>, vector<512x128xf32>
    %jit3A_77 = arith.constant 4 : i32
    %broadcast_in_dim3A_78 = vector.broadcast %jit3A_77 : i32 to vector<512x128xi32>
    %select_n3A_79 = arith.select %lt3A_75, %broadcast_in_dim3A_78, %select_n3A_68 : vector<512x128xi1>, vector<512x128xi32>
    %slice3A_80 = vector.extract_strided_slice %dot_general3A_18 {offsets = [0, 640], sizes = [512, 128], strides = [1, 1]} : vector<512x4096xf32> to vector<512x128xf32>
    %add3A_81 = vector.broadcast %broadcast_in_dim3A : vector<512x1xf32> to vector<512x128xf32>
    %add3A_82 = arith.addf %add3A_81, %slice3A_80 : vector<512x128xf32>
    %slice3A_83 = vector.extract_strided_slice %get3A_21 {offsets = [0, 640], sizes = [1, 128], strides = [1, 1]} : vector<1x4096xf32> to vector<1x128xf32>
    %add3A_84 = vector.broadcast %slice3A_83 : vector<1x128xf32> to vector<512x128xf32>
    %add3A_85 = arith.addf %add3A_82, %add3A_84 : vector<512x128xf32>
    %lt3A_86 = arith.cmpf olt, %add3A_85, %select_n3A_76 : vector<512x128xf32>
    %select_n3A_87 = arith.select %lt3A_86, %add3A_85, %select_n3A_76 : vector<512x128xi1>, vector<512x128xf32>
    %jit3A_88 = arith.constant 5 : i32
    %broadcast_in_dim3A_89 = vector.broadcast %jit3A_88 : i32 to vector<512x128xi32>
    %select_n3A_90 = arith.select %lt3A_86, %broadcast_in_dim3A_89, %select_n3A_79 : vector<512x128xi1>, vector<512x128xi32>
    %slice3A_91 = vector.extract_strided_slice %dot_general3A_18 {offsets = [0, 768], sizes = [512, 128], strides = [1, 1]} : vector<512x4096xf32> to vector<512x128xf32>
    %add3A_92 = vector.broadcast %broadcast_in_dim3A : vector<512x1xf32> to vector<512x128xf32>
    %add3A_93 = arith.addf %add3A_92, %slice3A_91 : vector<512x128xf32>
    %slice3A_94 = vector.extract_strided_slice %get3A_21 {offsets = [0, 768], sizes = [1, 128], strides = [1, 1]} : vector<1x4096xf32> to vector<1x128xf32>
    %add3A_95 = vector.broadcast %slice3A_94 : vector<1x128xf32> to vector<512x128xf32>
    %add3A_96 = arith.addf %add3A_93, %add3A_95 : vector<512x128xf32>
    %lt3A_97 = arith.cmpf olt, %add3A_96, %select_n3A_87 : vector<512x128xf32>
    %select_n3A_98 = arith.select %lt3A_97, %add3A_96, %select_n3A_87 : vector<512x128xi1>, vector<512x128xf32>
    %jit3A_99 = arith.constant 6 : i32
    %broadcast_in_dim3A_100 = vector.broadcast %jit3A_99 : i32 to vector<512x128xi32>
    %select_n3A_101 = arith.select %lt3A_97, %broadcast_in_dim3A_100, %select_n3A_90 : vector<512x128xi1>, vector<512x128xi32>
    %slice3A_102 = vector.extract_strided_slice %dot_general3A_18 {offsets = [0, 896], sizes = [512, 128], strides = [1, 1]} : vector<512x4096xf32> to vector<512x128xf32>
    %add3A_103 = vector.broadcast %broadcast_in_dim3A : vector<512x1xf32> to vector<512x128xf32>
    %add3A_104 = arith.addf %add3A_103, %slice3A_102 : vector<512x128xf32>
    %slice3A_105 = vector.extract_strided_slice %get3A_21 {offsets = [0, 896], sizes = [1, 128], strides = [1, 1]} : vector<1x4096xf32> to vector<1x128xf32>
    %add3A_106 = vector.broadcast %slice3A_105 : vector<1x128xf32> to vector<512x128xf32>
    %add3A_107 = arith.addf %add3A_104, %add3A_106 : vector<512x128xf32>
    %lt3A_108 = arith.cmpf olt, %add3A_107, %select_n3A_98 : vector<512x128xf32>
    %select_n3A_109 = arith.select %lt3A_108, %add3A_107, %select_n3A_98 : vector<512x128xi1>, vector<512x128xf32>
    %jit3A_110 = arith.constant 7 : i32
    %broadcast_in_dim3A_111 = vector.broadcast %jit3A_110 : i32 to vector<512x128xi32>
    %select_n3A_112 = arith.select %lt3A_108, %broadcast_in_dim3A_111, %select_n3A_101 : vector<512x128xi1>, vector<512x128xi32>
    %slice3A_113 = vector.extract_strided_slice %dot_general3A_18 {offsets = [0, 1024], sizes = [512, 128], strides = [1, 1]} : vector<512x4096xf32> to vector<512x128xf32>
    %add3A_114 = vector.broadcast %broadcast_in_dim3A : vector<512x1xf32> to vector<512x128xf32>
    %add3A_115 = arith.addf %add3A_114, %slice3A_113 : vector<512x128xf32>
    %slice3A_116 = vector.extract_strided_slice %get3A_21 {offsets = [0, 1024], sizes = [1, 128], strides = [1, 1]} : vector<1x4096xf32> to vector<1x128xf32>
    %add3A_117 = vector.broadcast %slice3A_116 : vector<1x128xf32> to vector<512x128xf32>
    %add3A_118 = arith.addf %add3A_115, %add3A_117 : vector<512x128xf32>
    %lt3A_119 = arith.cmpf olt, %add3A_118, %select_n3A_109 : vector<512x128xf32>
    %select_n3A_120 = arith.select %lt3A_119, %add3A_118, %select_n3A_109 : vector<512x128xi1>, vector<512x128xf32>
    %jit3A_121 = arith.constant 8 : i32
    %broadcast_in_dim3A_122 = vector.broadcast %jit3A_121 : i32 to vector<512x128xi32>
    %select_n3A_123 = arith.select %lt3A_119, %broadcast_in_dim3A_122, %select_n3A_112 : vector<512x128xi1>, vector<512x128xi32>
    %slice3A_124 = vector.extract_strided_slice %dot_general3A_18 {offsets = [0, 1152], sizes = [512, 128], strides = [1, 1]} : vector<512x4096xf32> to vector<512x128xf32>
    %add3A_125 = vector.broadcast %broadcast_in_dim3A : vector<512x1xf32> to vector<512x128xf32>
    %add3A_126 = arith.addf %add3A_125, %slice3A_124 : vector<512x128xf32>
    %slice3A_127 = vector.extract_strided_slice %get3A_21 {offsets = [0, 1152], sizes = [1, 128], strides = [1, 1]} : vector<1x4096xf32> to vector<1x128xf32>
    %add3A_128 = vector.broadcast %slice3A_127 : vector<1x128xf32> to vector<512x128xf32>
    %add3A_129 = arith.addf %add3A_126, %add3A_128 : vector<512x128xf32>
    %lt3A_130 = arith.cmpf olt, %add3A_129, %select_n3A_120 : vector<512x128xf32>
    %select_n3A_131 = arith.select %lt3A_130, %add3A_129, %select_n3A_120 : vector<512x128xi1>, vector<512x128xf32>
    %jit3A_132 = arith.constant 9 : i32
    %broadcast_in_dim3A_133 = vector.broadcast %jit3A_132 : i32 to vector<512x128xi32>
    %select_n3A_134 = arith.select %lt3A_130, %broadcast_in_dim3A_133, %select_n3A_123 : vector<512x128xi1>, vector<512x128xi32>
    %slice3A_135 = vector.extract_strided_slice %dot_general3A_18 {offsets = [0, 1280], sizes = [512, 128], strides = [1, 1]} : vector<512x4096xf32> to vector<512x128xf32>
    %add3A_136 = vector.broadcast %broadcast_in_dim3A : vector<512x1xf32> to vector<512x128xf32>
    %add3A_137 = arith.addf %add3A_136, %slice3A_135 : vector<512x128xf32>
    %slice3A_138 = vector.extract_strided_slice %get3A_21 {offsets = [0, 1280], sizes = [1, 128], strides = [1, 1]} : vector<1x4096xf32> to vector<1x128xf32>
    %add3A_139 = vector.broadcast %slice3A_138 : vector<1x128xf32> to vector<512x128xf32>
    %add3A_140 = arith.addf %add3A_137, %add3A_139 : vector<512x128xf32>
    %lt3A_141 = arith.cmpf olt, %add3A_140, %select_n3A_131 : vector<512x128xf32>
    %select_n3A_142 = arith.select %lt3A_141, %add3A_140, %select_n3A_131 : vector<512x128xi1>, vector<512x128xf32>
    %jit3A_143 = arith.constant 10 : i32
    %broadcast_in_dim3A_144 = vector.broadcast %jit3A_143 : i32 to vector<512x128xi32>
    %select_n3A_145 = arith.select %lt3A_141, %broadcast_in_dim3A_144, %select_n3A_134 : vector<512x128xi1>, vector<512x128xi32>
    %slice3A_146 = vector.extract_strided_slice %dot_general3A_18 {offsets = [0, 1408], sizes = [512, 128], strides = [1, 1]} : vector<512x4096xf32> to vector<512x128xf32>
    %add3A_147 = vector.broadcast %broadcast_in_dim3A : vector<512x1xf32> to vector<512x128xf32>
    %add3A_148 = arith.addf %add3A_147, %slice3A_146 : vector<512x128xf32>
    %slice3A_149 = vector.extract_strided_slice %get3A_21 {offsets = [0, 1408], sizes = [1, 128], strides = [1, 1]} : vector<1x4096xf32> to vector<1x128xf32>
    %add3A_150 = vector.broadcast %slice3A_149 : vector<1x128xf32> to vector<512x128xf32>
    %add3A_151 = arith.addf %add3A_148, %add3A_150 : vector<512x128xf32>
    %lt3A_152 = arith.cmpf olt, %add3A_151, %select_n3A_142 : vector<512x128xf32>
    %select_n3A_153 = arith.select %lt3A_152, %add3A_151, %select_n3A_142 : vector<512x128xi1>, vector<512x128xf32>
    %jit3A_154 = arith.constant 11 : i32
    %broadcast_in_dim3A_155 = vector.broadcast %jit3A_154 : i32 to vector<512x128xi32>
    %select_n3A_156 = arith.select %lt3A_152, %broadcast_in_dim3A_155, %select_n3A_145 : vector<512x128xi1>, vector<512x128xi32>
    %slice3A_157 = vector.extract_strided_slice %dot_general3A_18 {offsets = [0, 1536], sizes = [512, 128], strides = [1, 1]} : vector<512x4096xf32> to vector<512x128xf32>
    %add3A_158 = vector.broadcast %broadcast_in_dim3A : vector<512x1xf32> to vector<512x128xf32>
    %add3A_159 = arith.addf %add3A_158, %slice3A_157 : vector<512x128xf32>
    %slice3A_160 = vector.extract_strided_slice %get3A_21 {offsets = [0, 1536], sizes = [1, 128], strides = [1, 1]} : vector<1x4096xf32> to vector<1x128xf32>
    %add3A_161 = vector.broadcast %slice3A_160 : vector<1x128xf32> to vector<512x128xf32>
    %add3A_162 = arith.addf %add3A_159, %add3A_161 : vector<512x128xf32>
    %lt3A_163 = arith.cmpf olt, %add3A_162, %select_n3A_153 : vector<512x128xf32>
    %select_n3A_164 = arith.select %lt3A_163, %add3A_162, %select_n3A_153 : vector<512x128xi1>, vector<512x128xf32>
    %jit3A_165 = arith.constant 12 : i32
    %broadcast_in_dim3A_166 = vector.broadcast %jit3A_165 : i32 to vector<512x128xi32>
    %select_n3A_167 = arith.select %lt3A_163, %broadcast_in_dim3A_166, %select_n3A_156 : vector<512x128xi1>, vector<512x128xi32>
    %slice3A_168 = vector.extract_strided_slice %dot_general3A_18 {offsets = [0, 1664], sizes = [512, 128], strides = [1, 1]} : vector<512x4096xf32> to vector<512x128xf32>
    %add3A_169 = vector.broadcast %broadcast_in_dim3A : vector<512x1xf32> to vector<512x128xf32>
    %add3A_170 = arith.addf %add3A_169, %slice3A_168 : vector<512x128xf32>
    %slice3A_171 = vector.extract_strided_slice %get3A_21 {offsets = [0, 1664], sizes = [1, 128], strides = [1, 1]} : vector<1x4096xf32> to vector<1x128xf32>
    %add3A_172 = vector.broadcast %slice3A_171 : vector<1x128xf32> to vector<512x128xf32>
    %add3A_173 = arith.addf %add3A_170, %add3A_172 : vector<512x128xf32>
    %lt3A_174 = arith.cmpf olt, %add3A_173, %select_n3A_164 : vector<512x128xf32>
    %select_n3A_175 = arith.select %lt3A_174, %add3A_173, %select_n3A_164 : vector<512x128xi1>, vector<512x128xf32>
    %jit3A_176 = arith.constant 13 : i32
    %broadcast_in_dim3A_177 = vector.broadcast %jit3A_176 : i32 to vector<512x128xi32>
    %select_n3A_178 = arith.select %lt3A_174, %broadcast_in_dim3A_177, %select_n3A_167 : vector<512x128xi1>, vector<512x128xi32>
    %slice3A_179 = vector.extract_strided_slice %dot_general3A_18 {offsets = [0, 1792], sizes = [512, 128], strides = [1, 1]} : vector<512x4096xf32> to vector<512x128xf32>
    %add3A_180 = vector.broadcast %broadcast_in_dim3A : vector<512x1xf32> to vector<512x128xf32>
    %add3A_181 = arith.addf %add3A_180, %slice3A_179 : vector<512x128xf32>
    %slice3A_182 = vector.extract_strided_slice %get3A_21 {offsets = [0, 1792], sizes = [1, 128], strides = [1, 1]} : vector<1x4096xf32> to vector<1x128xf32>
    %add3A_183 = vector.broadcast %slice3A_182 : vector<1x128xf32> to vector<512x128xf32>
    %add3A_184 = arith.addf %add3A_181, %add3A_183 : vector<512x128xf32>
    %lt3A_185 = arith.cmpf olt, %add3A_184, %select_n3A_175 : vector<512x128xf32>
    %select_n3A_186 = arith.select %lt3A_185, %add3A_184, %select_n3A_175 : vector<512x128xi1>, vector<512x128xf32>
    %jit3A_187 = arith.constant 14 : i32
    %broadcast_in_dim3A_188 = vector.broadcast %jit3A_187 : i32 to vector<512x128xi32>
    %select_n3A_189 = arith.select %lt3A_185, %broadcast_in_dim3A_188, %select_n3A_178 : vector<512x128xi1>, vector<512x128xi32>
    %slice3A_190 = vector.extract_strided_slice %dot_general3A_18 {offsets = [0, 1920], sizes = [512, 128], strides = [1, 1]} : vector<512x4096xf32> to vector<512x128xf32>
    %add3A_191 = vector.broadcast %broadcast_in_dim3A : vector<512x1xf32> to vector<512x128xf32>
    %add3A_192 = arith.addf %add3A_191, %slice3A_190 : vector<512x128xf32>
    %slice3A_193 = vector.extract_strided_slice %get3A_21 {offsets = [0, 1920], sizes = [1, 128], strides = [1, 1]} : vector<1x4096xf32> to vector<1x128xf32>
    %add3A_194 = vector.broadcast %slice3A_193 : vector<1x128xf32> to vector<512x128xf32>
    %add3A_195 = arith.addf %add3A_192, %add3A_194 : vector<512x128xf32>
    %lt3A_196 = arith.cmpf olt, %add3A_195, %select_n3A_186 : vector<512x128xf32>
    %select_n3A_197 = arith.select %lt3A_196, %add3A_195, %select_n3A_186 : vector<512x128xi1>, vector<512x128xf32>
    %jit3A_198 = arith.constant 15 : i32
    %broadcast_in_dim3A_199 = vector.broadcast %jit3A_198 : i32 to vector<512x128xi32>
    %select_n3A_200 = arith.select %lt3A_196, %broadcast_in_dim3A_199, %select_n3A_189 : vector<512x128xi1>, vector<512x128xi32>
    %slice3A_201 = vector.extract_strided_slice %dot_general3A_18 {offsets = [0, 2048], sizes = [512, 128], strides = [1, 1]} : vector<512x4096xf32> to vector<512x128xf32>
    %add3A_202 = vector.broadcast %broadcast_in_dim3A : vector<512x1xf32> to vector<512x128xf32>
    %add3A_203 = arith.addf %add3A_202, %slice3A_201 : vector<512x128xf32>
    %slice3A_204 = vector.extract_strided_slice %get3A_21 {offsets = [0, 2048], sizes = [1, 128], strides = [1, 1]} : vector<1x4096xf32> to vector<1x128xf32>
    %add3A_205 = vector.broadcast %slice3A_204 : vector<1x128xf32> to vector<512x128xf32>
    %add3A_206 = arith.addf %add3A_203, %add3A_205 : vector<512x128xf32>
    %lt3A_207 = arith.cmpf olt, %add3A_206, %select_n3A_197 : vector<512x128xf32>
    %select_n3A_208 = arith.select %lt3A_207, %add3A_206, %select_n3A_197 : vector<512x128xi1>, vector<512x128xf32>
    %jit3A_209 = arith.constant 16 : i32
    %broadcast_in_dim3A_210 = vector.broadcast %jit3A_209 : i32 to vector<512x128xi32>
    %select_n3A_211 = arith.select %lt3A_207, %broadcast_in_dim3A_210, %select_n3A_200 : vector<512x128xi1>, vector<512x128xi32>
    %slice3A_212 = vector.extract_strided_slice %dot_general3A_18 {offsets = [0, 2176], sizes = [512, 128], strides = [1, 1]} : vector<512x4096xf32> to vector<512x128xf32>
    %add3A_213 = vector.broadcast %broadcast_in_dim3A : vector<512x1xf32> to vector<512x128xf32>
    %add3A_214 = arith.addf %add3A_213, %slice3A_212 : vector<512x128xf32>
    %slice3A_215 = vector.extract_strided_slice %get3A_21 {offsets = [0, 2176], sizes = [1, 128], strides = [1, 1]} : vector<1x4096xf32> to vector<1x128xf32>
    %add3A_216 = vector.broadcast %slice3A_215 : vector<1x128xf32> to vector<512x128xf32>
    %add3A_217 = arith.addf %add3A_214, %add3A_216 : vector<512x128xf32>
    %lt3A_218 = arith.cmpf olt, %add3A_217, %select_n3A_208 : vector<512x128xf32>
    %select_n3A_219 = arith.select %lt3A_218, %add3A_217, %select_n3A_208 : vector<512x128xi1>, vector<512x128xf32>
    %jit3A_220 = arith.constant 17 : i32
    %broadcast_in_dim3A_221 = vector.broadcast %jit3A_220 : i32 to vector<512x128xi32>
    %select_n3A_222 = arith.select %lt3A_218, %broadcast_in_dim3A_221, %select_n3A_211 : vector<512x128xi1>, vector<512x128xi32>
    %slice3A_223 = vector.extract_strided_slice %dot_general3A_18 {offsets = [0, 2304], sizes = [512, 128], strides = [1, 1]} : vector<512x4096xf32> to vector<512x128xf32>
    %add3A_224 = vector.broadcast %broadcast_in_dim3A : vector<512x1xf32> to vector<512x128xf32>
    %add3A_225 = arith.addf %add3A_224, %slice3A_223 : vector<512x128xf32>
    %slice3A_226 = vector.extract_strided_slice %get3A_21 {offsets = [0, 2304], sizes = [1, 128], strides = [1, 1]} : vector<1x4096xf32> to vector<1x128xf32>
    %add3A_227 = vector.broadcast %slice3A_226 : vector<1x128xf32> to vector<512x128xf32>
    %add3A_228 = arith.addf %add3A_225, %add3A_227 : vector<512x128xf32>
    %lt3A_229 = arith.cmpf olt, %add3A_228, %select_n3A_219 : vector<512x128xf32>
    %select_n3A_230 = arith.select %lt3A_229, %add3A_228, %select_n3A_219 : vector<512x128xi1>, vector<512x128xf32>
    %jit3A_231 = arith.constant 18 : i32
    %broadcast_in_dim3A_232 = vector.broadcast %jit3A_231 : i32 to vector<512x128xi32>
    %select_n3A_233 = arith.select %lt3A_229, %broadcast_in_dim3A_232, %select_n3A_222 : vector<512x128xi1>, vector<512x128xi32>
    %slice3A_234 = vector.extract_strided_slice %dot_general3A_18 {offsets = [0, 2432], sizes = [512, 128], strides = [1, 1]} : vector<512x4096xf32> to vector<512x128xf32>
    %add3A_235 = vector.broadcast %broadcast_in_dim3A : vector<512x1xf32> to vector<512x128xf32>
    %add3A_236 = arith.addf %add3A_235, %slice3A_234 : vector<512x128xf32>
    %slice3A_237 = vector.extract_strided_slice %get3A_21 {offsets = [0, 2432], sizes = [1, 128], strides = [1, 1]} : vector<1x4096xf32> to vector<1x128xf32>
    %add3A_238 = vector.broadcast %slice3A_237 : vector<1x128xf32> to vector<512x128xf32>
    %add3A_239 = arith.addf %add3A_236, %add3A_238 : vector<512x128xf32>
    %lt3A_240 = arith.cmpf olt, %add3A_239, %select_n3A_230 : vector<512x128xf32>
    %select_n3A_241 = arith.select %lt3A_240, %add3A_239, %select_n3A_230 : vector<512x128xi1>, vector<512x128xf32>
    %jit3A_242 = arith.constant 19 : i32
    %broadcast_in_dim3A_243 = vector.broadcast %jit3A_242 : i32 to vector<512x128xi32>
    %select_n3A_244 = arith.select %lt3A_240, %broadcast_in_dim3A_243, %select_n3A_233 : vector<512x128xi1>, vector<512x128xi32>
    %slice3A_245 = vector.extract_strided_slice %dot_general3A_18 {offsets = [0, 2560], sizes = [512, 128], strides = [1, 1]} : vector<512x4096xf32> to vector<512x128xf32>
    %add3A_246 = vector.broadcast %broadcast_in_dim3A : vector<512x1xf32> to vector<512x128xf32>
    %add3A_247 = arith.addf %add3A_246, %slice3A_245 : vector<512x128xf32>
    %slice3A_248 = vector.extract_strided_slice %get3A_21 {offsets = [0, 2560], sizes = [1, 128], strides = [1, 1]} : vector<1x4096xf32> to vector<1x128xf32>
    %add3A_249 = vector.broadcast %slice3A_248 : vector<1x128xf32> to vector<512x128xf32>
    %add3A_250 = arith.addf %add3A_247, %add3A_249 : vector<512x128xf32>
    %lt3A_251 = arith.cmpf olt, %add3A_250, %select_n3A_241 : vector<512x128xf32>
    %select_n3A_252 = arith.select %lt3A_251, %add3A_250, %select_n3A_241 : vector<512x128xi1>, vector<512x128xf32>
    %jit3A_253 = arith.constant 20 : i32
    %broadcast_in_dim3A_254 = vector.broadcast %jit3A_253 : i32 to vector<512x128xi32>
    %select_n3A_255 = arith.select %lt3A_251, %broadcast_in_dim3A_254, %select_n3A_244 : vector<512x128xi1>, vector<512x128xi32>
    %slice3A_256 = vector.extract_strided_slice %dot_general3A_18 {offsets = [0, 2688], sizes = [512, 128], strides = [1, 1]} : vector<512x4096xf32> to vector<512x128xf32>
    %add3A_257 = vector.broadcast %broadcast_in_dim3A : vector<512x1xf32> to vector<512x128xf32>
    %add3A_258 = arith.addf %add3A_257, %slice3A_256 : vector<512x128xf32>
    %slice3A_259 = vector.extract_strided_slice %get3A_21 {offsets = [0, 2688], sizes = [1, 128], strides = [1, 1]} : vector<1x4096xf32> to vector<1x128xf32>
    %add3A_260 = vector.broadcast %slice3A_259 : vector<1x128xf32> to vector<512x128xf32>
    %add3A_261 = arith.addf %add3A_258, %add3A_260 : vector<512x128xf32>
    %lt3A_262 = arith.cmpf olt, %add3A_261, %select_n3A_252 : vector<512x128xf32>
    %select_n3A_263 = arith.select %lt3A_262, %add3A_261, %select_n3A_252 : vector<512x128xi1>, vector<512x128xf32>
    %jit3A_264 = arith.constant 21 : i32
    %broadcast_in_dim3A_265 = vector.broadcast %jit3A_264 : i32 to vector<512x128xi32>
    %select_n3A_266 = arith.select %lt3A_262, %broadcast_in_dim3A_265, %select_n3A_255 : vector<512x128xi1>, vector<512x128xi32>
    %slice3A_267 = vector.extract_strided_slice %dot_general3A_18 {offsets = [0, 2816], sizes = [512, 128], strides = [1, 1]} : vector<512x4096xf32> to vector<512x128xf32>
    %add3A_268 = vector.broadcast %broadcast_in_dim3A : vector<512x1xf32> to vector<512x128xf32>
    %add3A_269 = arith.addf %add3A_268, %slice3A_267 : vector<512x128xf32>
    %slice3A_270 = vector.extract_strided_slice %get3A_21 {offsets = [0, 2816], sizes = [1, 128], strides = [1, 1]} : vector<1x4096xf32> to vector<1x128xf32>
    %add3A_271 = vector.broadcast %slice3A_270 : vector<1x128xf32> to vector<512x128xf32>
    %add3A_272 = arith.addf %add3A_269, %add3A_271 : vector<512x128xf32>
    %lt3A_273 = arith.cmpf olt, %add3A_272, %select_n3A_263 : vector<512x128xf32>
    %select_n3A_274 = arith.select %lt3A_273, %add3A_272, %select_n3A_263 : vector<512x128xi1>, vector<512x128xf32>
    %jit3A_275 = arith.constant 22 : i32
    %broadcast_in_dim3A_276 = vector.broadcast %jit3A_275 : i32 to vector<512x128xi32>
    %select_n3A_277 = arith.select %lt3A_273, %broadcast_in_dim3A_276, %select_n3A_266 : vector<512x128xi1>, vector<512x128xi32>
    %slice3A_278 = vector.extract_strided_slice %dot_general3A_18 {offsets = [0, 2944], sizes = [512, 128], strides = [1, 1]} : vector<512x4096xf32> to vector<512x128xf32>
    %add3A_279 = vector.broadcast %broadcast_in_dim3A : vector<512x1xf32> to vector<512x128xf32>
    %add3A_280 = arith.addf %add3A_279, %slice3A_278 : vector<512x128xf32>
    %slice3A_281 = vector.extract_strided_slice %get3A_21 {offsets = [0, 2944], sizes = [1, 128], strides = [1, 1]} : vector<1x4096xf32> to vector<1x128xf32>
    %add3A_282 = vector.broadcast %slice3A_281 : vector<1x128xf32> to vector<512x128xf32>
    %add3A_283 = arith.addf %add3A_280, %add3A_282 : vector<512x128xf32>
    %lt3A_284 = arith.cmpf olt, %add3A_283, %select_n3A_274 : vector<512x128xf32>
    %select_n3A_285 = arith.select %lt3A_284, %add3A_283, %select_n3A_274 : vector<512x128xi1>, vector<512x128xf32>
    %jit3A_286 = arith.constant 23 : i32
    %broadcast_in_dim3A_287 = vector.broadcast %jit3A_286 : i32 to vector<512x128xi32>
    %select_n3A_288 = arith.select %lt3A_284, %broadcast_in_dim3A_287, %select_n3A_277 : vector<512x128xi1>, vector<512x128xi32>
    %slice3A_289 = vector.extract_strided_slice %dot_general3A_18 {offsets = [0, 3072], sizes = [512, 128], strides = [1, 1]} : vector<512x4096xf32> to vector<512x128xf32>
    %add3A_290 = vector.broadcast %broadcast_in_dim3A : vector<512x1xf32> to vector<512x128xf32>
    %add3A_291 = arith.addf %add3A_290, %slice3A_289 : vector<512x128xf32>
    %slice3A_292 = vector.extract_strided_slice %get3A_21 {offsets = [0, 3072], sizes = [1, 128], strides = [1, 1]} : vector<1x4096xf32> to vector<1x128xf32>
    %add3A_293 = vector.broadcast %slice3A_292 : vector<1x128xf32> to vector<512x128xf32>
    %add3A_294 = arith.addf %add3A_291, %add3A_293 : vector<512x128xf32>
    %lt3A_295 = arith.cmpf olt, %add3A_294, %select_n3A_285 : vector<512x128xf32>
    %select_n3A_296 = arith.select %lt3A_295, %add3A_294, %select_n3A_285 : vector<512x128xi1>, vector<512x128xf32>
    %jit3A_297 = arith.constant 24 : i32
    %broadcast_in_dim3A_298 = vector.broadcast %jit3A_297 : i32 to vector<512x128xi32>
    %select_n3A_299 = arith.select %lt3A_295, %broadcast_in_dim3A_298, %select_n3A_288 : vector<512x128xi1>, vector<512x128xi32>
    %slice3A_300 = vector.extract_strided_slice %dot_general3A_18 {offsets = [0, 3200], sizes = [512, 128], strides = [1, 1]} : vector<512x4096xf32> to vector<512x128xf32>
    %add3A_301 = vector.broadcast %broadcast_in_dim3A : vector<512x1xf32> to vector<512x128xf32>
    %add3A_302 = arith.addf %add3A_301, %slice3A_300 : vector<512x128xf32>
    %slice3A_303 = vector.extract_strided_slice %get3A_21 {offsets = [0, 3200], sizes = [1, 128], strides = [1, 1]} : vector<1x4096xf32> to vector<1x128xf32>
    %add3A_304 = vector.broadcast %slice3A_303 : vector<1x128xf32> to vector<512x128xf32>
    %add3A_305 = arith.addf %add3A_302, %add3A_304 : vector<512x128xf32>
    %lt3A_306 = arith.cmpf olt, %add3A_305, %select_n3A_296 : vector<512x128xf32>
    %select_n3A_307 = arith.select %lt3A_306, %add3A_305, %select_n3A_296 : vector<512x128xi1>, vector<512x128xf32>
    %jit3A_308 = arith.constant 25 : i32
    %broadcast_in_dim3A_309 = vector.broadcast %jit3A_308 : i32 to vector<512x128xi32>
    %select_n3A_310 = arith.select %lt3A_306, %broadcast_in_dim3A_309, %select_n3A_299 : vector<512x128xi1>, vector<512x128xi32>
    %slice3A_311 = vector.extract_strided_slice %dot_general3A_18 {offsets = [0, 3328], sizes = [512, 128], strides = [1, 1]} : vector<512x4096xf32> to vector<512x128xf32>
    %add3A_312 = vector.broadcast %broadcast_in_dim3A : vector<512x1xf32> to vector<512x128xf32>
    %add3A_313 = arith.addf %add3A_312, %slice3A_311 : vector<512x128xf32>
    %slice3A_314 = vector.extract_strided_slice %get3A_21 {offsets = [0, 3328], sizes = [1, 128], strides = [1, 1]} : vector<1x4096xf32> to vector<1x128xf32>
    %add3A_315 = vector.broadcast %slice3A_314 : vector<1x128xf32> to vector<512x128xf32>
    %add3A_316 = arith.addf %add3A_313, %add3A_315 : vector<512x128xf32>
    %lt3A_317 = arith.cmpf olt, %add3A_316, %select_n3A_307 : vector<512x128xf32>
    %select_n3A_318 = arith.select %lt3A_317, %add3A_316, %select_n3A_307 : vector<512x128xi1>, vector<512x128xf32>
    %jit3A_319 = arith.constant 26 : i32
    %broadcast_in_dim3A_320 = vector.broadcast %jit3A_319 : i32 to vector<512x128xi32>
    %select_n3A_321 = arith.select %lt3A_317, %broadcast_in_dim3A_320, %select_n3A_310 : vector<512x128xi1>, vector<512x128xi32>
    %slice3A_322 = vector.extract_strided_slice %dot_general3A_18 {offsets = [0, 3456], sizes = [512, 128], strides = [1, 1]} : vector<512x4096xf32> to vector<512x128xf32>
    %add3A_323 = vector.broadcast %broadcast_in_dim3A : vector<512x1xf32> to vector<512x128xf32>
    %add3A_324 = arith.addf %add3A_323, %slice3A_322 : vector<512x128xf32>
    %slice3A_325 = vector.extract_strided_slice %get3A_21 {offsets = [0, 3456], sizes = [1, 128], strides = [1, 1]} : vector<1x4096xf32> to vector<1x128xf32>
    %add3A_326 = vector.broadcast %slice3A_325 : vector<1x128xf32> to vector<512x128xf32>
    %add3A_327 = arith.addf %add3A_324, %add3A_326 : vector<512x128xf32>
    %lt3A_328 = arith.cmpf olt, %add3A_327, %select_n3A_318 : vector<512x128xf32>
    %select_n3A_329 = arith.select %lt3A_328, %add3A_327, %select_n3A_318 : vector<512x128xi1>, vector<512x128xf32>
    %jit3A_330 = arith.constant 27 : i32
    %broadcast_in_dim3A_331 = vector.broadcast %jit3A_330 : i32 to vector<512x128xi32>
    %select_n3A_332 = arith.select %lt3A_328, %broadcast_in_dim3A_331, %select_n3A_321 : vector<512x128xi1>, vector<512x128xi32>
    %slice3A_333 = vector.extract_strided_slice %dot_general3A_18 {offsets = [0, 3584], sizes = [512, 128], strides = [1, 1]} : vector<512x4096xf32> to vector<512x128xf32>
    %add3A_334 = vector.broadcast %broadcast_in_dim3A : vector<512x1xf32> to vector<512x128xf32>
    %add3A_335 = arith.addf %add3A_334, %slice3A_333 : vector<512x128xf32>
    %slice3A_336 = vector.extract_strided_slice %get3A_21 {offsets = [0, 3584], sizes = [1, 128], strides = [1, 1]} : vector<1x4096xf32> to vector<1x128xf32>
    %add3A_337 = vector.broadcast %slice3A_336 : vector<1x128xf32> to vector<512x128xf32>
    %add3A_338 = arith.addf %add3A_335, %add3A_337 : vector<512x128xf32>
    %lt3A_339 = arith.cmpf olt, %add3A_338, %select_n3A_329 : vector<512x128xf32>
    %select_n3A_340 = arith.select %lt3A_339, %add3A_338, %select_n3A_329 : vector<512x128xi1>, vector<512x128xf32>
    %jit3A_341 = arith.constant 28 : i32
    %broadcast_in_dim3A_342 = vector.broadcast %jit3A_341 : i32 to vector<512x128xi32>
    %select_n3A_343 = arith.select %lt3A_339, %broadcast_in_dim3A_342, %select_n3A_332 : vector<512x128xi1>, vector<512x128xi32>
    %slice3A_344 = vector.extract_strided_slice %dot_general3A_18 {offsets = [0, 3712], sizes = [512, 128], strides = [1, 1]} : vector<512x4096xf32> to vector<512x128xf32>
    %add3A_345 = vector.broadcast %broadcast_in_dim3A : vector<512x1xf32> to vector<512x128xf32>
    %add3A_346 = arith.addf %add3A_345, %slice3A_344 : vector<512x128xf32>
    %slice3A_347 = vector.extract_strided_slice %get3A_21 {offsets = [0, 3712], sizes = [1, 128], strides = [1, 1]} : vector<1x4096xf32> to vector<1x128xf32>
    %add3A_348 = vector.broadcast %slice3A_347 : vector<1x128xf32> to vector<512x128xf32>
    %add3A_349 = arith.addf %add3A_346, %add3A_348 : vector<512x128xf32>
    %lt3A_350 = arith.cmpf olt, %add3A_349, %select_n3A_340 : vector<512x128xf32>
    %select_n3A_351 = arith.select %lt3A_350, %add3A_349, %select_n3A_340 : vector<512x128xi1>, vector<512x128xf32>
    %jit3A_352 = arith.constant 29 : i32
    %broadcast_in_dim3A_353 = vector.broadcast %jit3A_352 : i32 to vector<512x128xi32>
    %select_n3A_354 = arith.select %lt3A_350, %broadcast_in_dim3A_353, %select_n3A_343 : vector<512x128xi1>, vector<512x128xi32>
    %slice3A_355 = vector.extract_strided_slice %dot_general3A_18 {offsets = [0, 3840], sizes = [512, 128], strides = [1, 1]} : vector<512x4096xf32> to vector<512x128xf32>
    %add3A_356 = vector.broadcast %broadcast_in_dim3A : vector<512x1xf32> to vector<512x128xf32>
    %add3A_357 = arith.addf %add3A_356, %slice3A_355 : vector<512x128xf32>
    %slice3A_358 = vector.extract_strided_slice %get3A_21 {offsets = [0, 3840], sizes = [1, 128], strides = [1, 1]} : vector<1x4096xf32> to vector<1x128xf32>
    %add3A_359 = vector.broadcast %slice3A_358 : vector<1x128xf32> to vector<512x128xf32>
    %add3A_360 = arith.addf %add3A_357, %add3A_359 : vector<512x128xf32>
    %lt3A_361 = arith.cmpf olt, %add3A_360, %select_n3A_351 : vector<512x128xf32>
    %select_n3A_362 = arith.select %lt3A_361, %add3A_360, %select_n3A_351 : vector<512x128xi1>, vector<512x128xf32>
    %jit3A_363 = arith.constant 30 : i32
    %broadcast_in_dim3A_364 = vector.broadcast %jit3A_363 : i32 to vector<512x128xi32>
    %select_n3A_365 = arith.select %lt3A_361, %broadcast_in_dim3A_364, %select_n3A_354 : vector<512x128xi1>, vector<512x128xi32>
    %slice3A_366 = vector.extract_strided_slice %dot_general3A_18 {offsets = [0, 3968], sizes = [512, 128], strides = [1, 1]} : vector<512x4096xf32> to vector<512x128xf32>
    %add3A_367 = vector.broadcast %broadcast_in_dim3A : vector<512x1xf32> to vector<512x128xf32>
    %add3A_368 = arith.addf %add3A_367, %slice3A_366 : vector<512x128xf32>
    %slice3A_369 = vector.extract_strided_slice %get3A_21 {offsets = [0, 3968], sizes = [1, 128], strides = [1, 1]} : vector<1x4096xf32> to vector<1x128xf32>
    %add3A_370 = vector.broadcast %slice3A_369 : vector<1x128xf32> to vector<512x128xf32>
    %add3A_371 = arith.addf %add3A_368, %add3A_370 : vector<512x128xf32>
    %lt3A_372 = arith.cmpf olt, %add3A_371, %select_n3A_362 : vector<512x128xf32>
    %select_n3A_373 = arith.select %lt3A_372, %add3A_371, %select_n3A_362 : vector<512x128xi1>, vector<512x128xf32>
    %jit3A_374 = arith.constant 31 : i32
    %broadcast_in_dim3A_375 = vector.broadcast %jit3A_374 : i32 to vector<512x128xi32>
    %select_n3A_376 = arith.select %lt3A_372, %broadcast_in_dim3A_375, %select_n3A_365 : vector<512x128xi1>, vector<512x128xi32>
    %reduce_min3A = arith.constant dense<0x7F800000> : vector<512xf32>
    %reduce_min3A_377 = vector.multi_reduction <minimumf>, %select_n3A_373, %reduce_min3A [1] : vector<512x128xf32> to vector<512xf32>
    %broadcast_in_dim3A_378 = vector.shape_cast %reduce_min3A_377 : vector<512xf32> to vector<512x1xf32>
    %iota3A = tpu.iota {dimensions = array<i32: 1>} : vector<512x128xi32>
    %eq3A_379 = vector.broadcast %broadcast_in_dim3A_378 : vector<512x1xf32> to vector<512x128xf32>
    %eq3A_380 = arith.cmpf oeq, %select_n3A_373, %eq3A_379 : vector<512x128xf32>
    %mul3A_381 = arith.constant 128 : i32
    %mul3A_382 = vector.broadcast %mul3A_381 : i32 to vector<512x128xi32>
    %mul3A_383 = arith.muli %select_n3A_376, %mul3A_382 : vector<512x128xi32>
    %add3A_384 = arith.addi %mul3A_383, %iota3A : vector<512x128xi32>
    %jit3A_385 = arith.constant 4096 : i32
    %broadcast_in_dim3A_386 = vector.broadcast %jit3A_385 : i32 to vector<512x128xi32>
    %select_n3A_387 = arith.select %eq3A_380, %add3A_384, %broadcast_in_dim3A_386 : vector<512x128xi1>, vector<512x128xi32>
    %reduce_min3A_388 = arith.constant dense<2147483647> : vector<512xi32>
    %reduce_min3A_389 = vector.multi_reduction <minsi>, %select_n3A_387, %reduce_min3A_388 [1] : vector<512x128xi32> to vector<512xi32>
    %broadcast_in_dim3A_390 = vector.shape_cast %reduce_min3A_389 : vector<512xi32> to vector<512x1xi32>
    %swap3A = arith.constant 0 : index
    %swap3A_391 = arith.constant 0 : index
    %swap3A_392 = vector.load %arg9[%swap3A, %swap3A_391] : memref<512x1xi32, #tpu.memory_space<vmem>>, vector<512x1xi32>
    tpu.vector_store %arg9[%swap3A, %swap3A_391], %broadcast_in_dim3A_390 {strides = array<i32>} : memref<512x1xi32, #tpu.memory_space<vmem>>, vector<512x1xi32>,
    %get3A_393 = arith.constant 0 : index
    %get3A_394 = arith.constant 0 : index
    %get3A_395 = vector.load %arg1[%get3A_393, %get3A_394] : memref<512x64xf32, #tpu.memory_space<vmem>>, vector<512x64xf32>
    %mul3A_396 = arith.mulf %get3A_395, %get3A_395 : vector<512x64xf32>
    %reduce_sum3A_397 = arith.constant dense<0.000000e+00> : vector<512xf32>
    %reduce_sum3A_398 = vector.multi_reduction <add>, %mul3A_396, %reduce_sum3A_397 [1] : vector<512x64xf32> to vector<512xf32>
    %broadcast_in_dim3A_399 = vector.shape_cast %reduce_sum3A_398 : vector<512xf32> to vector<512x1xf32>
    %get3A_400 = arith.constant 0 : index
    %get3A_401 = arith.constant 0 : index
    %get3A_402 = vector.load %arg2[%get3A_400, %get3A_401] : memref<4096x64xf32, #tpu.memory_space<vmem>>, vector<4096x64xf32>
    %dot_general3A_403 = arith.constant dense<0.000000e+00> : vector<512x4096xf32>
    %dot_general3A_404 = tpu.matmul %get3A_395, %get3A_402, %dot_general3A_403 {dimension_numbers = #tpu.dot_dimension_numbers<[1], [1], [0], [0], [0, 0, 1, 0], [], []>, transpose_lhs_hint = false} : vector<512x64xf32>, vector<4096x64xf32>, vector<512x4096xf32> -> vector<512x4096xf32>
    %get3A_405 = arith.constant 0 : index
    %get3A_406 = arith.constant 0 : index
    %get3A_407 = vector.load %arg4[%get3A_405, %get3A_406] : memref<1x4096xf32, #tpu.memory_space<vmem>>, vector<1x4096xf32>
    %broadcast_in_dim3A_408 = arith.constant 0x7F800000 : f32
    %broadcast_in_dim3A_409 = vector.broadcast %broadcast_in_dim3A_408 : f32 to vector<512x128xf32>
    %broadcast_in_dim3A_410 = arith.constant 0 : i32
    %broadcast_in_dim3A_411 = vector.broadcast %broadcast_in_dim3A_410 : i32 to vector<512x128xi32>
    %slice3A_412 = vector.extract_strided_slice %dot_general3A_404 {offsets = [0, 0], sizes = [512, 128], strides = [1, 1]} : vector<512x4096xf32> to vector<512x128xf32>
    %add3A_413 = vector.broadcast %broadcast_in_dim3A_399 : vector<512x1xf32> to vector<512x128xf32>
    %add3A_414 = arith.addf %add3A_413, %slice3A_412 : vector<512x128xf32>
    %slice3A_415 = vector.extract_strided_slice %get3A_407 {offsets = [0, 0], sizes = [1, 128], strides = [1, 1]} : vector<1x4096xf32> to vector<1x128xf32>
    %add3A_416 = vector.broadcast %slice3A_415 : vector<1x128xf32> to vector<512x128xf32>
    %add3A_417 = arith.addf %add3A_414, %add3A_416 : vector<512x128xf32>
    %lt3A_418 = arith.cmpf olt, %add3A_417, %broadcast_in_dim3A_409 : vector<512x128xf32>
    %select_n3A_419 = arith.select %lt3A_418, %add3A_417, %broadcast_in_dim3A_409 : vector<512x128xi1>, vector<512x128xf32>
    %jit3A_420 = arith.constant 0 : i32
    %broadcast_in_dim3A_421 = vector.broadcast %jit3A_420 : i32 to vector<512x128xi32>
    %select_n3A_422 = arith.select %lt3A_418, %broadcast_in_dim3A_421, %broadcast_in_dim3A_411 : vector<512x128xi1>, vector<512x128xi32>
    %slice3A_423 = vector.extract_strided_slice %dot_general3A_404 {offsets = [0, 128], sizes = [512, 128], strides = [1, 1]} : vector<512x4096xf32> to vector<512x128xf32>
    %add3A_424 = vector.broadcast %broadcast_in_dim3A_399 : vector<512x1xf32> to vector<512x128xf32>
    %add3A_425 = arith.addf %add3A_424, %slice3A_423 : vector<512x128xf32>
    %slice3A_426 = vector.extract_strided_slice %get3A_407 {offsets = [0, 128], sizes = [1, 128], strides = [1, 1]} : vector<1x4096xf32> to vector<1x128xf32>
    %add3A_427 = vector.broadcast %slice3A_426 : vector<1x128xf32> to vector<512x128xf32>
    %add3A_428 = arith.addf %add3A_425, %add3A_427 : vector<512x128xf32>
    %lt3A_429 = arith.cmpf olt, %add3A_428, %select_n3A_419 : vector<512x128xf32>
    %select_n3A_430 = arith.select %lt3A_429, %add3A_428, %select_n3A_419 : vector<512x128xi1>, vector<512x128xf32>
    %jit3A_431 = arith.constant 1 : i32
    %broadcast_in_dim3A_432 = vector.broadcast %jit3A_431 : i32 to vector<512x128xi32>
    %select_n3A_433 = arith.select %lt3A_429, %broadcast_in_dim3A_432, %select_n3A_422 : vector<512x128xi1>, vector<512x128xi32>
    %slice3A_434 = vector.extract_strided_slice %dot_general3A_404 {offsets = [0, 256], sizes = [512, 128], strides = [1, 1]} : vector<512x4096xf32> to vector<512x128xf32>
    %add3A_435 = vector.broadcast %broadcast_in_dim3A_399 : vector<512x1xf32> to vector<512x128xf32>
    %add3A_436 = arith.addf %add3A_435, %slice3A_434 : vector<512x128xf32>
    %slice3A_437 = vector.extract_strided_slice %get3A_407 {offsets = [0, 256], sizes = [1, 128], strides = [1, 1]} : vector<1x4096xf32> to vector<1x128xf32>
    %add3A_438 = vector.broadcast %slice3A_437 : vector<1x128xf32> to vector<512x128xf32>
    %add3A_439 = arith.addf %add3A_436, %add3A_438 : vector<512x128xf32>
    %lt3A_440 = arith.cmpf olt, %add3A_439, %select_n3A_430 : vector<512x128xf32>
    %select_n3A_441 = arith.select %lt3A_440, %add3A_439, %select_n3A_430 : vector<512x128xi1>, vector<512x128xf32>
    %jit3A_442 = arith.constant 2 : i32
    %broadcast_in_dim3A_443 = vector.broadcast %jit3A_442 : i32 to vector<512x128xi32>
    %select_n3A_444 = arith.select %lt3A_440, %broadcast_in_dim3A_443, %select_n3A_433 : vector<512x128xi1>, vector<512x128xi32>
    %slice3A_445 = vector.extract_strided_slice %dot_general3A_404 {offsets = [0, 384], sizes = [512, 128], strides = [1, 1]} : vector<512x4096xf32> to vector<512x128xf32>
    %add3A_446 = vector.broadcast %broadcast_in_dim3A_399 : vector<512x1xf32> to vector<512x128xf32>
    %add3A_447 = arith.addf %add3A_446, %slice3A_445 : vector<512x128xf32>
    %slice3A_448 = vector.extract_strided_slice %get3A_407 {offsets = [0, 384], sizes = [1, 128], strides = [1, 1]} : vector<1x4096xf32> to vector<1x128xf32>
    %add3A_449 = vector.broadcast %slice3A_448 : vector<1x128xf32> to vector<512x128xf32>
    %add3A_450 = arith.addf %add3A_447, %add3A_449 : vector<512x128xf32>
    %lt3A_451 = arith.cmpf olt, %add3A_450, %select_n3A_441 : vector<512x128xf32>
    %select_n3A_452 = arith.select %lt3A_451, %add3A_450, %select_n3A_441 : vector<512x128xi1>, vector<512x128xf32>
    %jit3A_453 = arith.constant 3 : i32
    %broadcast_in_dim3A_454 = vector.broadcast %jit3A_453 : i32 to vector<512x128xi32>
    %select_n3A_455 = arith.select %lt3A_451, %broadcast_in_dim3A_454, %select_n3A_444 : vector<512x128xi1>, vector<512x128xi32>
    %slice3A_456 = vector.extract_strided_slice %dot_general3A_404 {offsets = [0, 512], sizes = [512, 128], strides = [1, 1]} : vector<512x4096xf32> to vector<512x128xf32>
    %add3A_457 = vector.broadcast %broadcast_in_dim3A_399 : vector<512x1xf32> to vector<512x128xf32>
    %add3A_458 = arith.addf %add3A_457, %slice3A_456 : vector<512x128xf32>
    %slice3A_459 = vector.extract_strided_slice %get3A_407 {offsets = [0, 512], sizes = [1, 128], strides = [1, 1]} : vector<1x4096xf32> to vector<1x128xf32>
    %add3A_460 = vector.broadcast %slice3A_459 : vector<1x128xf32> to vector<512x128xf32>
    %add3A_461 = arith.addf %add3A_458, %add3A_460 : vector<512x128xf32>
    %lt3A_462 = arith.cmpf olt, %add3A_461, %select_n3A_452 : vector<512x128xf32>
    %select_n3A_463 = arith.select %lt3A_462, %add3A_461, %select_n3A_452 : vector<512x128xi1>, vector<512x128xf32>
    %jit3A_464 = arith.constant 4 : i32
    %broadcast_in_dim3A_465 = vector.broadcast %jit3A_464 : i32 to vector<512x128xi32>
    %select_n3A_466 = arith.select %lt3A_462, %broadcast_in_dim3A_465, %select_n3A_455 : vector<512x128xi1>, vector<512x128xi32>
    %slice3A_467 = vector.extract_strided_slice %dot_general3A_404 {offsets = [0, 640], sizes = [512, 128], strides = [1, 1]} : vector<512x4096xf32> to vector<512x128xf32>
    %add3A_468 = vector.broadcast %broadcast_in_dim3A_399 : vector<512x1xf32> to vector<512x128xf32>
    %add3A_469 = arith.addf %add3A_468, %slice3A_467 : vector<512x128xf32>
    %slice3A_470 = vector.extract_strided_slice %get3A_407 {offsets = [0, 640], sizes = [1, 128], strides = [1, 1]} : vector<1x4096xf32> to vector<1x128xf32>
    %add3A_471 = vector.broadcast %slice3A_470 : vector<1x128xf32> to vector<512x128xf32>
    %add3A_472 = arith.addf %add3A_469, %add3A_471 : vector<512x128xf32>
    %lt3A_473 = arith.cmpf olt, %add3A_472, %select_n3A_463 : vector<512x128xf32>
    %select_n3A_474 = arith.select %lt3A_473, %add3A_472, %select_n3A_463 : vector<512x128xi1>, vector<512x128xf32>
    %jit3A_475 = arith.constant 5 : i32
    %broadcast_in_dim3A_476 = vector.broadcast %jit3A_475 : i32 to vector<512x128xi32>
    %select_n3A_477 = arith.select %lt3A_473, %broadcast_in_dim3A_476, %select_n3A_466 : vector<512x128xi1>, vector<512x128xi32>
    %slice3A_478 = vector.extract_strided_slice %dot_general3A_404 {offsets = [0, 768], sizes = [512, 128], strides = [1, 1]} : vector<512x4096xf32> to vector<512x128xf32>
    %add3A_479 = vector.broadcast %broadcast_in_dim3A_399 : vector<512x1xf32> to vector<512x128xf32>
    %add3A_480 = arith.addf %add3A_479, %slice3A_478 : vector<512x128xf32>
    %slice3A_481 = vector.extract_strided_slice %get3A_407 {offsets = [0, 768], sizes = [1, 128], strides = [1, 1]} : vector<1x4096xf32> to vector<1x128xf32>
    %add3A_482 = vector.broadcast %slice3A_481 : vector<1x128xf32> to vector<512x128xf32>
    %add3A_483 = arith.addf %add3A_480, %add3A_482 : vector<512x128xf32>
    %lt3A_484 = arith.cmpf olt, %add3A_483, %select_n3A_474 : vector<512x128xf32>
    %select_n3A_485 = arith.select %lt3A_484, %add3A_483, %select_n3A_474 : vector<512x128xi1>, vector<512x128xf32>
    %jit3A_486 = arith.constant 6 : i32
    %broadcast_in_dim3A_487 = vector.broadcast %jit3A_486 : i32 to vector<512x128xi32>
    %select_n3A_488 = arith.select %lt3A_484, %broadcast_in_dim3A_487, %select_n3A_477 : vector<512x128xi1>, vector<512x128xi32>
    %slice3A_489 = vector.extract_strided_slice %dot_general3A_404 {offsets = [0, 896], sizes = [512, 128], strides = [1, 1]} : vector<512x4096xf32> to vector<512x128xf32>
    %add3A_490 = vector.broadcast %broadcast_in_dim3A_399 : vector<512x1xf32> to vector<512x128xf32>
    %add3A_491 = arith.addf %add3A_490, %slice3A_489 : vector<512x128xf32>
    %slice3A_492 = vector.extract_strided_slice %get3A_407 {offsets = [0, 896], sizes = [1, 128], strides = [1, 1]} : vector<1x4096xf32> to vector<1x128xf32>
    %add3A_493 = vector.broadcast %slice3A_492 : vector<1x128xf32> to vector<512x128xf32>
    %add3A_494 = arith.addf %add3A_491, %add3A_493 : vector<512x128xf32>
    %lt3A_495 = arith.cmpf olt, %add3A_494, %select_n3A_485 : vector<512x128xf32>
    %select_n3A_496 = arith.select %lt3A_495, %add3A_494, %select_n3A_485 : vector<512x128xi1>, vector<512x128xf32>
    %jit3A_497 = arith.constant 7 : i32
    %broadcast_in_dim3A_498 = vector.broadcast %jit3A_497 : i32 to vector<512x128xi32>
    %select_n3A_499 = arith.select %lt3A_495, %broadcast_in_dim3A_498, %select_n3A_488 : vector<512x128xi1>, vector<512x128xi32>
    %slice3A_500 = vector.extract_strided_slice %dot_general3A_404 {offsets = [0, 1024], sizes = [512, 128], strides = [1, 1]} : vector<512x4096xf32> to vector<512x128xf32>
    %add3A_501 = vector.broadcast %broadcast_in_dim3A_399 : vector<512x1xf32> to vector<512x128xf32>
    %add3A_502 = arith.addf %add3A_501, %slice3A_500 : vector<512x128xf32>
    %slice3A_503 = vector.extract_strided_slice %get3A_407 {offsets = [0, 1024], sizes = [1, 128], strides = [1, 1]} : vector<1x4096xf32> to vector<1x128xf32>
    %add3A_504 = vector.broadcast %slice3A_503 : vector<1x128xf32> to vector<512x128xf32>
    %add3A_505 = arith.addf %add3A_502, %add3A_504 : vector<512x128xf32>
    %lt3A_506 = arith.cmpf olt, %add3A_505, %select_n3A_496 : vector<512x128xf32>
    %select_n3A_507 = arith.select %lt3A_506, %add3A_505, %select_n3A_496 : vector<512x128xi1>, vector<512x128xf32>
    %jit3A_508 = arith.constant 8 : i32
    %broadcast_in_dim3A_509 = vector.broadcast %jit3A_508 : i32 to vector<512x128xi32>
    %select_n3A_510 = arith.select %lt3A_506, %broadcast_in_dim3A_509, %select_n3A_499 : vector<512x128xi1>, vector<512x128xi32>
    %slice3A_511 = vector.extract_strided_slice %dot_general3A_404 {offsets = [0, 1152], sizes = [512, 128], strides = [1, 1]} : vector<512x4096xf32> to vector<512x128xf32>
    %add3A_512 = vector.broadcast %broadcast_in_dim3A_399 : vector<512x1xf32> to vector<512x128xf32>
    %add3A_513 = arith.addf %add3A_512, %slice3A_511 : vector<512x128xf32>
    %slice3A_514 = vector.extract_strided_slice %get3A_407 {offsets = [0, 1152], sizes = [1, 128], strides = [1, 1]} : vector<1x4096xf32> to vector<1x128xf32>
    %add3A_515 = vector.broadcast %slice3A_514 : vector<1x128xf32> to vector<512x128xf32>
    %add3A_516 = arith.addf %add3A_513, %add3A_515 : vector<512x128xf32>
    %lt3A_517 = arith.cmpf olt, %add3A_516, %select_n3A_507 : vector<512x128xf32>
    %select_n3A_518 = arith.select %lt3A_517, %add3A_516, %select_n3A_507 : vector<512x128xi1>, vector<512x128xf32>
    %jit3A_519 = arith.constant 9 : i32
    %broadcast_in_dim3A_520 = vector.broadcast %jit3A_519 : i32 to vector<512x128xi32>
    %select_n3A_521 = arith.select %lt3A_517, %broadcast_in_dim3A_520, %select_n3A_510 : vector<512x128xi1>, vector<512x128xi32>
    %slice3A_522 = vector.extract_strided_slice %dot_general3A_404 {offsets = [0, 1280], sizes = [512, 128], strides = [1, 1]} : vector<512x4096xf32> to vector<512x128xf32>
    %add3A_523 = vector.broadcast %broadcast_in_dim3A_399 : vector<512x1xf32> to vector<512x128xf32>
    %add3A_524 = arith.addf %add3A_523, %slice3A_522 : vector<512x128xf32>
    %slice3A_525 = vector.extract_strided_slice %get3A_407 {offsets = [0, 1280], sizes = [1, 128], strides = [1, 1]} : vector<1x4096xf32> to vector<1x128xf32>
    %add3A_526 = vector.broadcast %slice3A_525 : vector<1x128xf32> to vector<512x128xf32>
    %add3A_527 = arith.addf %add3A_524, %add3A_526 : vector<512x128xf32>
    %lt3A_528 = arith.cmpf olt, %add3A_527, %select_n3A_518 : vector<512x128xf32>
    %select_n3A_529 = arith.select %lt3A_528, %add3A_527, %select_n3A_518 : vector<512x128xi1>, vector<512x128xf32>
    %jit3A_530 = arith.constant 10 : i32
    %broadcast_in_dim3A_531 = vector.broadcast %jit3A_530 : i32 to vector<512x128xi32>
    %select_n3A_532 = arith.select %lt3A_528, %broadcast_in_dim3A_531, %select_n3A_521 : vector<512x128xi1>, vector<512x128xi32>
    %slice3A_533 = vector.extract_strided_slice %dot_general3A_404 {offsets = [0, 1408], sizes = [512, 128], strides = [1, 1]} : vector<512x4096xf32> to vector<512x128xf32>
    %add3A_534 = vector.broadcast %broadcast_in_dim3A_399 : vector<512x1xf32> to vector<512x128xf32>
    %add3A_535 = arith.addf %add3A_534, %slice3A_533 : vector<512x128xf32>
    %slice3A_536 = vector.extract_strided_slice %get3A_407 {offsets = [0, 1408], sizes = [1, 128], strides = [1, 1]} : vector<1x4096xf32> to vector<1x128xf32>
    %add3A_537 = vector.broadcast %slice3A_536 : vector<1x128xf32> to vector<512x128xf32>
    %add3A_538 = arith.addf %add3A_535, %add3A_537 : vector<512x128xf32>
    %lt3A_539 = arith.cmpf olt, %add3A_538, %select_n3A_529 : vector<512x128xf32>
    %select_n3A_540 = arith.select %lt3A_539, %add3A_538, %select_n3A_529 : vector<512x128xi1>, vector<512x128xf32>
    %jit3A_541 = arith.constant 11 : i32
    %broadcast_in_dim3A_542 = vector.broadcast %jit3A_541 : i32 to vector<512x128xi32>
    %select_n3A_543 = arith.select %lt3A_539, %broadcast_in_dim3A_542, %select_n3A_532 : vector<512x128xi1>, vector<512x128xi32>
    %slice3A_544 = vector.extract_strided_slice %dot_general3A_404 {offsets = [0, 1536], sizes = [512, 128], strides = [1, 1]} : vector<512x4096xf32> to vector<512x128xf32>
    %add3A_545 = vector.broadcast %broadcast_in_dim3A_399 : vector<512x1xf32> to vector<512x128xf32>
    %add3A_546 = arith.addf %add3A_545, %slice3A_544 : vector<512x128xf32>
    %slice3A_547 = vector.extract_strided_slice %get3A_407 {offsets = [0, 1536], sizes = [1, 128], strides = [1, 1]} : vector<1x4096xf32> to vector<1x128xf32>
    %add3A_548 = vector.broadcast %slice3A_547 : vector<1x128xf32> to vector<512x128xf32>
    %add3A_549 = arith.addf %add3A_546, %add3A_548 : vector<512x128xf32>
    %lt3A_550 = arith.cmpf olt, %add3A_549, %select_n3A_540 : vector<512x128xf32>
    %select_n3A_551 = arith.select %lt3A_550, %add3A_549, %select_n3A_540 : vector<512x128xi1>, vector<512x128xf32>
    %jit3A_552 = arith.constant 12 : i32
    %broadcast_in_dim3A_553 = vector.broadcast %jit3A_552 : i32 to vector<512x128xi32>
    %select_n3A_554 = arith.select %lt3A_550, %broadcast_in_dim3A_553, %select_n3A_543 : vector<512x128xi1>, vector<512x128xi32>
    %slice3A_555 = vector.extract_strided_slice %dot_general3A_404 {offsets = [0, 1664], sizes = [512, 128], strides = [1, 1]} : vector<512x4096xf32> to vector<512x128xf32>
    %add3A_556 = vector.broadcast %broadcast_in_dim3A_399 : vector<512x1xf32> to vector<512x128xf32>
    %add3A_557 = arith.addf %add3A_556, %slice3A_555 : vector<512x128xf32>
    %slice3A_558 = vector.extract_strided_slice %get3A_407 {offsets = [0, 1664], sizes = [1, 128], strides = [1, 1]} : vector<1x4096xf32> to vector<1x128xf32>
    %add3A_559 = vector.broadcast %slice3A_558 : vector<1x128xf32> to vector<512x128xf32>
    %add3A_560 = arith.addf %add3A_557, %add3A_559 : vector<512x128xf32>
    %lt3A_561 = arith.cmpf olt, %add3A_560, %select_n3A_551 : vector<512x128xf32>
    %select_n3A_562 = arith.select %lt3A_561, %add3A_560, %select_n3A_551 : vector<512x128xi1>, vector<512x128xf32>
    %jit3A_563 = arith.constant 13 : i32
    %broadcast_in_dim3A_564 = vector.broadcast %jit3A_563 : i32 to vector<512x128xi32>
    %select_n3A_565 = arith.select %lt3A_561, %broadcast_in_dim3A_564, %select_n3A_554 : vector<512x128xi1>, vector<512x128xi32>
    %slice3A_566 = vector.extract_strided_slice %dot_general3A_404 {offsets = [0, 1792], sizes = [512, 128], strides = [1, 1]} : vector<512x4096xf32> to vector<512x128xf32>
    %add3A_567 = vector.broadcast %broadcast_in_dim3A_399 : vector<512x1xf32> to vector<512x128xf32>
    %add3A_568 = arith.addf %add3A_567, %slice3A_566 : vector<512x128xf32>
    %slice3A_569 = vector.extract_strided_slice %get3A_407 {offsets = [0, 1792], sizes = [1, 128], strides = [1, 1]} : vector<1x4096xf32> to vector<1x128xf32>
    %add3A_570 = vector.broadcast %slice3A_569 : vector<1x128xf32> to vector<512x128xf32>
    %add3A_571 = arith.addf %add3A_568, %add3A_570 : vector<512x128xf32>
    %lt3A_572 = arith.cmpf olt, %add3A_571, %select_n3A_562 : vector<512x128xf32>
    %select_n3A_573 = arith.select %lt3A_572, %add3A_571, %select_n3A_562 : vector<512x128xi1>, vector<512x128xf32>
    %jit3A_574 = arith.constant 14 : i32
    %broadcast_in_dim3A_575 = vector.broadcast %jit3A_574 : i32 to vector<512x128xi32>
    %select_n3A_576 = arith.select %lt3A_572, %broadcast_in_dim3A_575, %select_n3A_565 : vector<512x128xi1>, vector<512x128xi32>
    %slice3A_577 = vector.extract_strided_slice %dot_general3A_404 {offsets = [0, 1920], sizes = [512, 128], strides = [1, 1]} : vector<512x4096xf32> to vector<512x128xf32>
    %add3A_578 = vector.broadcast %broadcast_in_dim3A_399 : vector<512x1xf32> to vector<512x128xf32>
    %add3A_579 = arith.addf %add3A_578, %slice3A_577 : vector<512x128xf32>
    %slice3A_580 = vector.extract_strided_slice %get3A_407 {offsets = [0, 1920], sizes = [1, 128], strides = [1, 1]} : vector<1x4096xf32> to vector<1x128xf32>
    %add3A_581 = vector.broadcast %slice3A_580 : vector<1x128xf32> to vector<512x128xf32>
    %add3A_582 = arith.addf %add3A_579, %add3A_581 : vector<512x128xf32>
    %lt3A_583 = arith.cmpf olt, %add3A_582, %select_n3A_573 : vector<512x128xf32>
    %select_n3A_584 = arith.select %lt3A_583, %add3A_582, %select_n3A_573 : vector<512x128xi1>, vector<512x128xf32>
    %jit3A_585 = arith.constant 15 : i32
    %broadcast_in_dim3A_586 = vector.broadcast %jit3A_585 : i32 to vector<512x128xi32>
    %select_n3A_587 = arith.select %lt3A_583, %broadcast_in_dim3A_586, %select_n3A_576 : vector<512x128xi1>, vector<512x128xi32>
    %slice3A_588 = vector.extract_strided_slice %dot_general3A_404 {offsets = [0, 2048], sizes = [512, 128], strides = [1, 1]} : vector<512x4096xf32> to vector<512x128xf32>
    %add3A_589 = vector.broadcast %broadcast_in_dim3A_399 : vector<512x1xf32> to vector<512x128xf32>
    %add3A_590 = arith.addf %add3A_589, %slice3A_588 : vector<512x128xf32>
    %slice3A_591 = vector.extract_strided_slice %get3A_407 {offsets = [0, 2048], sizes = [1, 128], strides = [1, 1]} : vector<1x4096xf32> to vector<1x128xf32>
    %add3A_592 = vector.broadcast %slice3A_591 : vector<1x128xf32> to vector<512x128xf32>
    %add3A_593 = arith.addf %add3A_590, %add3A_592 : vector<512x128xf32>
    %lt3A_594 = arith.cmpf olt, %add3A_593, %select_n3A_584 : vector<512x128xf32>
    %select_n3A_595 = arith.select %lt3A_594, %add3A_593, %select_n3A_584 : vector<512x128xi1>, vector<512x128xf32>
    %jit3A_596 = arith.constant 16 : i32
    %broadcast_in_dim3A_597 = vector.broadcast %jit3A_596 : i32 to vector<512x128xi32>
    %select_n3A_598 = arith.select %lt3A_594, %broadcast_in_dim3A_597, %select_n3A_587 : vector<512x128xi1>, vector<512x128xi32>
    %slice3A_599 = vector.extract_strided_slice %dot_general3A_404 {offsets = [0, 2176], sizes = [512, 128], strides = [1, 1]} : vector<512x4096xf32> to vector<512x128xf32>
    %add3A_600 = vector.broadcast %broadcast_in_dim3A_399 : vector<512x1xf32> to vector<512x128xf32>
    %add3A_601 = arith.addf %add3A_600, %slice3A_599 : vector<512x128xf32>
    %slice3A_602 = vector.extract_strided_slice %get3A_407 {offsets = [0, 2176], sizes = [1, 128], strides = [1, 1]} : vector<1x4096xf32> to vector<1x128xf32>
    %add3A_603 = vector.broadcast %slice3A_602 : vector<1x128xf32> to vector<512x128xf32>
    %add3A_604 = arith.addf %add3A_601, %add3A_603 : vector<512x128xf32>
    %lt3A_605 = arith.cmpf olt, %add3A_604, %select_n3A_595 : vector<512x128xf32>
    %select_n3A_606 = arith.select %lt3A_605, %add3A_604, %select_n3A_595 : vector<512x128xi1>, vector<512x128xf32>
    %jit3A_607 = arith.constant 17 : i32
    %broadcast_in_dim3A_608 = vector.broadcast %jit3A_607 : i32 to vector<512x128xi32>
    %select_n3A_609 = arith.select %lt3A_605, %broadcast_in_dim3A_608, %select_n3A_598 : vector<512x128xi1>, vector<512x128xi32>
    %slice3A_610 = vector.extract_strided_slice %dot_general3A_404 {offsets = [0, 2304], sizes = [512, 128], strides = [1, 1]} : vector<512x4096xf32> to vector<512x128xf32>
    %add3A_611 = vector.broadcast %broadcast_in_dim3A_399 : vector<512x1xf32> to vector<512x128xf32>
    %add3A_612 = arith.addf %add3A_611, %slice3A_610 : vector<512x128xf32>
    %slice3A_613 = vector.extract_strided_slice %get3A_407 {offsets = [0, 2304], sizes = [1, 128], strides = [1, 1]} : vector<1x4096xf32> to vector<1x128xf32>
    %add3A_614 = vector.broadcast %slice3A_613 : vector<1x128xf32> to vector<512x128xf32>
    %add3A_615 = arith.addf %add3A_612, %add3A_614 : vector<512x128xf32>
    %lt3A_616 = arith.cmpf olt, %add3A_615, %select_n3A_606 : vector<512x128xf32>
    %select_n3A_617 = arith.select %lt3A_616, %add3A_615, %select_n3A_606 : vector<512x128xi1>, vector<512x128xf32>
    %jit3A_618 = arith.constant 18 : i32
    %broadcast_in_dim3A_619 = vector.broadcast %jit3A_618 : i32 to vector<512x128xi32>
    %select_n3A_620 = arith.select %lt3A_616, %broadcast_in_dim3A_619, %select_n3A_609 : vector<512x128xi1>, vector<512x128xi32>
    %slice3A_621 = vector.extract_strided_slice %dot_general3A_404 {offsets = [0, 2432], sizes = [512, 128], strides = [1, 1]} : vector<512x4096xf32> to vector<512x128xf32>
    %add3A_622 = vector.broadcast %broadcast_in_dim3A_399 : vector<512x1xf32> to vector<512x128xf32>
    %add3A_623 = arith.addf %add3A_622, %slice3A_621 : vector<512x128xf32>
    %slice3A_624 = vector.extract_strided_slice %get3A_407 {offsets = [0, 2432], sizes = [1, 128], strides = [1, 1]} : vector<1x4096xf32> to vector<1x128xf32>
    %add3A_625 = vector.broadcast %slice3A_624 : vector<1x128xf32> to vector<512x128xf32>
    %add3A_626 = arith.addf %add3A_623, %add3A_625 : vector<512x128xf32>
    %lt3A_627 = arith.cmpf olt, %add3A_626, %select_n3A_617 : vector<512x128xf32>
    %select_n3A_628 = arith.select %lt3A_627, %add3A_626, %select_n3A_617 : vector<512x128xi1>, vector<512x128xf32>
    %jit3A_629 = arith.constant 19 : i32
    %broadcast_in_dim3A_630 = vector.broadcast %jit3A_629 : i32 to vector<512x128xi32>
    %select_n3A_631 = arith.select %lt3A_627, %broadcast_in_dim3A_630, %select_n3A_620 : vector<512x128xi1>, vector<512x128xi32>
    %slice3A_632 = vector.extract_strided_slice %dot_general3A_404 {offsets = [0, 2560], sizes = [512, 128], strides = [1, 1]} : vector<512x4096xf32> to vector<512x128xf32>
    %add3A_633 = vector.broadcast %broadcast_in_dim3A_399 : vector<512x1xf32> to vector<512x128xf32>
    %add3A_634 = arith.addf %add3A_633, %slice3A_632 : vector<512x128xf32>
    %slice3A_635 = vector.extract_strided_slice %get3A_407 {offsets = [0, 2560], sizes = [1, 128], strides = [1, 1]} : vector<1x4096xf32> to vector<1x128xf32>
    %add3A_636 = vector.broadcast %slice3A_635 : vector<1x128xf32> to vector<512x128xf32>
    %add3A_637 = arith.addf %add3A_634, %add3A_636 : vector<512x128xf32>
    %lt3A_638 = arith.cmpf olt, %add3A_637, %select_n3A_628 : vector<512x128xf32>
    %select_n3A_639 = arith.select %lt3A_638, %add3A_637, %select_n3A_628 : vector<512x128xi1>, vector<512x128xf32>
    %jit3A_640 = arith.constant 20 : i32
    %broadcast_in_dim3A_641 = vector.broadcast %jit3A_640 : i32 to vector<512x128xi32>
    %select_n3A_642 = arith.select %lt3A_638, %broadcast_in_dim3A_641, %select_n3A_631 : vector<512x128xi1>, vector<512x128xi32>
    %slice3A_643 = vector.extract_strided_slice %dot_general3A_404 {offsets = [0, 2688], sizes = [512, 128], strides = [1, 1]} : vector<512x4096xf32> to vector<512x128xf32>
    %add3A_644 = vector.broadcast %broadcast_in_dim3A_399 : vector<512x1xf32> to vector<512x128xf32>
    %add3A_645 = arith.addf %add3A_644, %slice3A_643 : vector<512x128xf32>
    %slice3A_646 = vector.extract_strided_slice %get3A_407 {offsets = [0, 2688], sizes = [1, 128], strides = [1, 1]} : vector<1x4096xf32> to vector<1x128xf32>
    %add3A_647 = vector.broadcast %slice3A_646 : vector<1x128xf32> to vector<512x128xf32>
    %add3A_648 = arith.addf %add3A_645, %add3A_647 : vector<512x128xf32>
    %lt3A_649 = arith.cmpf olt, %add3A_648, %select_n3A_639 : vector<512x128xf32>
    %select_n3A_650 = arith.select %lt3A_649, %add3A_648, %select_n3A_639 : vector<512x128xi1>, vector<512x128xf32>
    %jit3A_651 = arith.constant 21 : i32
    %broadcast_in_dim3A_652 = vector.broadcast %jit3A_651 : i32 to vector<512x128xi32>
    %select_n3A_653 = arith.select %lt3A_649, %broadcast_in_dim3A_652, %select_n3A_642 : vector<512x128xi1>, vector<512x128xi32>
    %slice3A_654 = vector.extract_strided_slice %dot_general3A_404 {offsets = [0, 2816], sizes = [512, 128], strides = [1, 1]} : vector<512x4096xf32> to vector<512x128xf32>
    %add3A_655 = vector.broadcast %broadcast_in_dim3A_399 : vector<512x1xf32> to vector<512x128xf32>
    %add3A_656 = arith.addf %add3A_655, %slice3A_654 : vector<512x128xf32>
    %slice3A_657 = vector.extract_strided_slice %get3A_407 {offsets = [0, 2816], sizes = [1, 128], strides = [1, 1]} : vector<1x4096xf32> to vector<1x128xf32>
    %add3A_658 = vector.broadcast %slice3A_657 : vector<1x128xf32> to vector<512x128xf32>
    %add3A_659 = arith.addf %add3A_656, %add3A_658 : vector<512x128xf32>
    %lt3A_660 = arith.cmpf olt, %add3A_659, %select_n3A_650 : vector<512x128xf32>
    %select_n3A_661 = arith.select %lt3A_660, %add3A_659, %select_n3A_650 : vector<512x128xi1>, vector<512x128xf32>
    %jit3A_662 = arith.constant 22 : i32
    %broadcast_in_dim3A_663 = vector.broadcast %jit3A_662 : i32 to vector<512x128xi32>
    %select_n3A_664 = arith.select %lt3A_660, %broadcast_in_dim3A_663, %select_n3A_653 : vector<512x128xi1>, vector<512x128xi32>
    %slice3A_665 = vector.extract_strided_slice %dot_general3A_404 {offsets = [0, 2944], sizes = [512, 128], strides = [1, 1]} : vector<512x4096xf32> to vector<512x128xf32>
    %add3A_666 = vector.broadcast %broadcast_in_dim3A_399 : vector<512x1xf32> to vector<512x128xf32>
    %add3A_667 = arith.addf %add3A_666, %slice3A_665 : vector<512x128xf32>
    %slice3A_668 = vector.extract_strided_slice %get3A_407 {offsets = [0, 2944], sizes = [1, 128], strides = [1, 1]} : vector<1x4096xf32> to vector<1x128xf32>
    %add3A_669 = vector.broadcast %slice3A_668 : vector<1x128xf32> to vector<512x128xf32>
    %add3A_670 = arith.addf %add3A_667, %add3A_669 : vector<512x128xf32>
    %lt3A_671 = arith.cmpf olt, %add3A_670, %select_n3A_661 : vector<512x128xf32>
    %select_n3A_672 = arith.select %lt3A_671, %add3A_670, %select_n3A_661 : vector<512x128xi1>, vector<512x128xf32>
    %jit3A_673 = arith.constant 23 : i32
    %broadcast_in_dim3A_674 = vector.broadcast %jit3A_673 : i32 to vector<512x128xi32>
    %select_n3A_675 = arith.select %lt3A_671, %broadcast_in_dim3A_674, %select_n3A_664 : vector<512x128xi1>, vector<512x128xi32>
    %slice3A_676 = vector.extract_strided_slice %dot_general3A_404 {offsets = [0, 3072], sizes = [512, 128], strides = [1, 1]} : vector<512x4096xf32> to vector<512x128xf32>
    %add3A_677 = vector.broadcast %broadcast_in_dim3A_399 : vector<512x1xf32> to vector<512x128xf32>
    %add3A_678 = arith.addf %add3A_677, %slice3A_676 : vector<512x128xf32>
    %slice3A_679 = vector.extract_strided_slice %get3A_407 {offsets = [0, 3072], sizes = [1, 128], strides = [1, 1]} : vector<1x4096xf32> to vector<1x128xf32>
    %add3A_680 = vector.broadcast %slice3A_679 : vector<1x128xf32> to vector<512x128xf32>
    %add3A_681 = arith.addf %add3A_678, %add3A_680 : vector<512x128xf32>
    %lt3A_682 = arith.cmpf olt, %add3A_681, %select_n3A_672 : vector<512x128xf32>
    %select_n3A_683 = arith.select %lt3A_682, %add3A_681, %select_n3A_672 : vector<512x128xi1>, vector<512x128xf32>
    %jit3A_684 = arith.constant 24 : i32
    %broadcast_in_dim3A_685 = vector.broadcast %jit3A_684 : i32 to vector<512x128xi32>
    %select_n3A_686 = arith.select %lt3A_682, %broadcast_in_dim3A_685, %select_n3A_675 : vector<512x128xi1>, vector<512x128xi32>
    %slice3A_687 = vector.extract_strided_slice %dot_general3A_404 {offsets = [0, 3200], sizes = [512, 128], strides = [1, 1]} : vector<512x4096xf32> to vector<512x128xf32>
    %add3A_688 = vector.broadcast %broadcast_in_dim3A_399 : vector<512x1xf32> to vector<512x128xf32>
    %add3A_689 = arith.addf %add3A_688, %slice3A_687 : vector<512x128xf32>
    %slice3A_690 = vector.extract_strided_slice %get3A_407 {offsets = [0, 3200], sizes = [1, 128], strides = [1, 1]} : vector<1x4096xf32> to vector<1x128xf32>
    %add3A_691 = vector.broadcast %slice3A_690 : vector<1x128xf32> to vector<512x128xf32>
    %add3A_692 = arith.addf %add3A_689, %add3A_691 : vector<512x128xf32>
    %lt3A_693 = arith.cmpf olt, %add3A_692, %select_n3A_683 : vector<512x128xf32>
    %select_n3A_694 = arith.select %lt3A_693, %add3A_692, %select_n3A_683 : vector<512x128xi1>, vector<512x128xf32>
    %jit3A_695 = arith.constant 25 : i32
    %broadcast_in_dim3A_696 = vector.broadcast %jit3A_695 : i32 to vector<512x128xi32>
    %select_n3A_697 = arith.select %lt3A_693, %broadcast_in_dim3A_696, %select_n3A_686 : vector<512x128xi1>, vector<512x128xi32>
    %slice3A_698 = vector.extract_strided_slice %dot_general3A_404 {offsets = [0, 3328], sizes = [512, 128], strides = [1, 1]} : vector<512x4096xf32> to vector<512x128xf32>
    %add3A_699 = vector.broadcast %broadcast_in_dim3A_399 : vector<512x1xf32> to vector<512x128xf32>
    %add3A_700 = arith.addf %add3A_699, %slice3A_698 : vector<512x128xf32>
    %slice3A_701 = vector.extract_strided_slice %get3A_407 {offsets = [0, 3328], sizes = [1, 128], strides = [1, 1]} : vector<1x4096xf32> to vector<1x128xf32>
    %add3A_702 = vector.broadcast %slice3A_701 : vector<1x128xf32> to vector<512x128xf32>
    %add3A_703 = arith.addf %add3A_700, %add3A_702 : vector<512x128xf32>
    %lt3A_704 = arith.cmpf olt, %add3A_703, %select_n3A_694 : vector<512x128xf32>
    %select_n3A_705 = arith.select %lt3A_704, %add3A_703, %select_n3A_694 : vector<512x128xi1>, vector<512x128xf32>
    %jit3A_706 = arith.constant 26 : i32
    %broadcast_in_dim3A_707 = vector.broadcast %jit3A_706 : i32 to vector<512x128xi32>
    %select_n3A_708 = arith.select %lt3A_704, %broadcast_in_dim3A_707, %select_n3A_697 : vector<512x128xi1>, vector<512x128xi32>
    %slice3A_709 = vector.extract_strided_slice %dot_general3A_404 {offsets = [0, 3456], sizes = [512, 128], strides = [1, 1]} : vector<512x4096xf32> to vector<512x128xf32>
    %add3A_710 = vector.broadcast %broadcast_in_dim3A_399 : vector<512x1xf32> to vector<512x128xf32>
    %add3A_711 = arith.addf %add3A_710, %slice3A_709 : vector<512x128xf32>
    %slice3A_712 = vector.extract_strided_slice %get3A_407 {offsets = [0, 3456], sizes = [1, 128], strides = [1, 1]} : vector<1x4096xf32> to vector<1x128xf32>
    %add3A_713 = vector.broadcast %slice3A_712 : vector<1x128xf32> to vector<512x128xf32>
    %add3A_714 = arith.addf %add3A_711, %add3A_713 : vector<512x128xf32>
    %lt3A_715 = arith.cmpf olt, %add3A_714, %select_n3A_705 : vector<512x128xf32>
    %select_n3A_716 = arith.select %lt3A_715, %add3A_714, %select_n3A_705 : vector<512x128xi1>, vector<512x128xf32>
    %jit3A_717 = arith.constant 27 : i32
    %broadcast_in_dim3A_718 = vector.broadcast %jit3A_717 : i32 to vector<512x128xi32>
    %select_n3A_719 = arith.select %lt3A_715, %broadcast_in_dim3A_718, %select_n3A_708 : vector<512x128xi1>, vector<512x128xi32>
    %slice3A_720 = vector.extract_strided_slice %dot_general3A_404 {offsets = [0, 3584], sizes = [512, 128], strides = [1, 1]} : vector<512x4096xf32> to vector<512x128xf32>
    %add3A_721 = vector.broadcast %broadcast_in_dim3A_399 : vector<512x1xf32> to vector<512x128xf32>
    %add3A_722 = arith.addf %add3A_721, %slice3A_720 : vector<512x128xf32>
    %slice3A_723 = vector.extract_strided_slice %get3A_407 {offsets = [0, 3584], sizes = [1, 128], strides = [1, 1]} : vector<1x4096xf32> to vector<1x128xf32>
    %add3A_724 = vector.broadcast %slice3A_723 : vector<1x128xf32> to vector<512x128xf32>
    %add3A_725 = arith.addf %add3A_722, %add3A_724 : vector<512x128xf32>
    %lt3A_726 = arith.cmpf olt, %add3A_725, %select_n3A_716 : vector<512x128xf32>
    %select_n3A_727 = arith.select %lt3A_726, %add3A_725, %select_n3A_716 : vector<512x128xi1>, vector<512x128xf32>
    %jit3A_728 = arith.constant 28 : i32
    %broadcast_in_dim3A_729 = vector.broadcast %jit3A_728 : i32 to vector<512x128xi32>
    %select_n3A_730 = arith.select %lt3A_726, %broadcast_in_dim3A_729, %select_n3A_719 : vector<512x128xi1>, vector<512x128xi32>
    %slice3A_731 = vector.extract_strided_slice %dot_general3A_404 {offsets = [0, 3712], sizes = [512, 128], strides = [1, 1]} : vector<512x4096xf32> to vector<512x128xf32>
    %add3A_732 = vector.broadcast %broadcast_in_dim3A_399 : vector<512x1xf32> to vector<512x128xf32>
    %add3A_733 = arith.addf %add3A_732, %slice3A_731 : vector<512x128xf32>
    %slice3A_734 = vector.extract_strided_slice %get3A_407 {offsets = [0, 3712], sizes = [1, 128], strides = [1, 1]} : vector<1x4096xf32> to vector<1x128xf32>
    %add3A_735 = vector.broadcast %slice3A_734 : vector<1x128xf32> to vector<512x128xf32>
    %add3A_736 = arith.addf %add3A_733, %add3A_735 : vector<512x128xf32>
    %lt3A_737 = arith.cmpf olt, %add3A_736, %select_n3A_727 : vector<512x128xf32>
    %select_n3A_738 = arith.select %lt3A_737, %add3A_736, %select_n3A_727 : vector<512x128xi1>, vector<512x128xf32>
    %jit3A_739 = arith.constant 29 : i32
    %broadcast_in_dim3A_740 = vector.broadcast %jit3A_739 : i32 to vector<512x128xi32>
    %select_n3A_741 = arith.select %lt3A_737, %broadcast_in_dim3A_740, %select_n3A_730 : vector<512x128xi1>, vector<512x128xi32>
    %slice3A_742 = vector.extract_strided_slice %dot_general3A_404 {offsets = [0, 3840], sizes = [512, 128], strides = [1, 1]} : vector<512x4096xf32> to vector<512x128xf32>
    %add3A_743 = vector.broadcast %broadcast_in_dim3A_399 : vector<512x1xf32> to vector<512x128xf32>
    %add3A_744 = arith.addf %add3A_743, %slice3A_742 : vector<512x128xf32>
    %slice3A_745 = vector.extract_strided_slice %get3A_407 {offsets = [0, 3840], sizes = [1, 128], strides = [1, 1]} : vector<1x4096xf32> to vector<1x128xf32>
    %add3A_746 = vector.broadcast %slice3A_745 : vector<1x128xf32> to vector<512x128xf32>
    %add3A_747 = arith.addf %add3A_744, %add3A_746 : vector<512x128xf32>
    %lt3A_748 = arith.cmpf olt, %add3A_747, %select_n3A_738 : vector<512x128xf32>
    %select_n3A_749 = arith.select %lt3A_748, %add3A_747, %select_n3A_738 : vector<512x128xi1>, vector<512x128xf32>
    %jit3A_750 = arith.constant 30 : i32
    %broadcast_in_dim3A_751 = vector.broadcast %jit3A_750 : i32 to vector<512x128xi32>
    %select_n3A_752 = arith.select %lt3A_748, %broadcast_in_dim3A_751, %select_n3A_741 : vector<512x128xi1>, vector<512x128xi32>
    %slice3A_753 = vector.extract_strided_slice %dot_general3A_404 {offsets = [0, 3968], sizes = [512, 128], strides = [1, 1]} : vector<512x4096xf32> to vector<512x128xf32>
    %add3A_754 = vector.broadcast %broadcast_in_dim3A_399 : vector<512x1xf32> to vector<512x128xf32>
    %add3A_755 = arith.addf %add3A_754, %slice3A_753 : vector<512x128xf32>
    %slice3A_756 = vector.extract_strided_slice %get3A_407 {offsets = [0, 3968], sizes = [1, 128], strides = [1, 1]} : vector<1x4096xf32> to vector<1x128xf32>
    %add3A_757 = vector.broadcast %slice3A_756 : vector<1x128xf32> to vector<512x128xf32>
    %add3A_758 = arith.addf %add3A_755, %add3A_757 : vector<512x128xf32>
    %lt3A_759 = arith.cmpf olt, %add3A_758, %select_n3A_749 : vector<512x128xf32>
    %select_n3A_760 = arith.select %lt3A_759, %add3A_758, %select_n3A_749 : vector<512x128xi1>, vector<512x128xf32>
    %jit3A_761 = arith.constant 31 : i32
    %broadcast_in_dim3A_762 = vector.broadcast %jit3A_761 : i32 to vector<512x128xi32>
    %select_n3A_763 = arith.select %lt3A_759, %broadcast_in_dim3A_762, %select_n3A_752 : vector<512x128xi1>, vector<512x128xi32>
    %reduce_min3A_764 = arith.constant dense<0x7F800000> : vector<512xf32>
    %reduce_min3A_765 = vector.multi_reduction <minimumf>, %select_n3A_760, %reduce_min3A_764 [1] : vector<512x128xf32> to vector<512xf32>
    %broadcast_in_dim3A_766 = vector.shape_cast %reduce_min3A_765 : vector<512xf32> to vector<512x1xf32>
    %iota3A_767 = tpu.iota {dimensions = array<i32: 1>} : vector<512x128xi32>
    %eq3A_768 = vector.broadcast %broadcast_in_dim3A_766 : vector<512x1xf32> to vector<512x128xf32>
    %eq3A_769 = arith.cmpf oeq, %select_n3A_760, %eq3A_768 : vector<512x128xf32>
    %mul3A_770 = arith.constant 128 : i32
    %mul3A_771 = vector.broadcast %mul3A_770 : i32 to vector<512x128xi32>
    %mul3A_772 = arith.muli %select_n3A_763, %mul3A_771 : vector<512x128xi32>
    %add3A_773 = arith.addi %mul3A_772, %iota3A_767 : vector<512x128xi32>
    %jit3A_774 = arith.constant 4096 : i32
    %broadcast_in_dim3A_775 = vector.broadcast %jit3A_774 : i32 to vector<512x128xi32>
    %select_n3A_776 = arith.select %eq3A_769, %add3A_773, %broadcast_in_dim3A_775 : vector<512x128xi1>, vector<512x128xi32>
    %reduce_min3A_777 = arith.constant dense<2147483647> : vector<512xi32>
    %reduce_min3A_778 = vector.multi_reduction <minsi>, %select_n3A_776, %reduce_min3A_777 [1] : vector<512x128xi32> to vector<512xi32>
    %get3A_779 = arith.constant 0 : index
    %get3A_780 = arith.constant 0 : index
    %get3A_781 = vector.load %arg6[%get3A_779, %get3A_780] : memref<4096x256xi8, #tpu.memory_space<vmem>>, vector<4096x256xi8>
    %iota3A_782 = tpu.iota {dimensions = array<i32: 1>} : vector<512x4096xi32>
    %broadcast_in_dim3A_783 = vector.shape_cast %reduce_min3A_778 : vector<512xi32> to vector<512x1xi32>
    %eq3A_784 = vector.broadcast %broadcast_in_dim3A_783 : vector<512x1xi32> to vector<512x4096xi32>
    %eq3A_785 = arith.cmpi eq, %iota3A_782, %eq3A_784 : vector<512x4096xi32>
    %convert_element_type3A = arith.extui %eq3A_785 : vector<512x4096xi1> to vector<512x4096xi8>
    %dot_general3A_786 = arith.constant dense<0> : vector<512x256xi32>
    %dot_general3A_787 = tpu.matmul %convert_element_type3A, %get3A_781, %dot_general3A_786 {dimension_numbers = #tpu.dot_dimension_numbers<[1], [0], [0], [1], [0, 0, 1, 1], [], []>, transpose_lhs_hint = false} : vector<512x4096xi8>, vector<4096x256xi8>, vector<512x256xi32> -> vector<512x256xi32>
    %add3A_788 = arith.constant 128 : i32
    %add3A_789 = vector.broadcast %add3A_788 : i32 to vector<512x256xi32>
    %add3A_790 = arith.addi %dot_general3A_787, %add3A_789 : vector<512x256xi32>
    %slice3A_791 = vector.extract_strided_slice %add3A_790 {offsets = [0, 0], sizes = [512, 64], strides = [1, 1]} : vector<512x256xi32> to vector<512x64xi32>
    %slice3A_792 = vector.extract_strided_slice %add3A_790 {offsets = [0, 64], sizes = [512, 64], strides = [1, 1]} : vector<512x256xi32> to vector<512x64xi32>
    %shift_left3A = arith.constant 8 : i32
    %shift_left3A_793 = vector.broadcast %shift_left3A : i32 to vector<512x64xi32>
    %shift_left3A_794 = arith.shli %slice3A_792, %shift_left3A_793 : vector<512x64xi32>
    %or3A = arith.ori %slice3A_791, %shift_left3A_794 : vector<512x64xi32>
    %slice3A_795 = vector.extract_strided_slice %add3A_790 {offsets = [0, 128], sizes = [512, 64], strides = [1, 1]} : vector<512x256xi32> to vector<512x64xi32>
    %shift_left3A_796 = arith.constant 16 : i32
    %shift_left3A_797 = vector.broadcast %shift_left3A_796 : i32 to vector<512x64xi32>
    %shift_left3A_798 = arith.shli %slice3A_795, %shift_left3A_797 : vector<512x64xi32>
    %or3A_799 = arith.ori %or3A, %shift_left3A_798 : vector<512x64xi32>
    %slice3A_800 = vector.extract_strided_slice %add3A_790 {offsets = [0, 192], sizes = [512, 64], strides = [1, 1]} : vector<512x256xi32> to vector<512x64xi32>
    %shift_left3A_801 = arith.constant 24 : i32
    %shift_left3A_802 = vector.broadcast %shift_left3A_801 : i32 to vector<512x64xi32>
    %shift_left3A_803 = arith.shli %slice3A_800, %shift_left3A_802 : vector<512x64xi32>
    %or3A_804 = arith.ori %or3A_799, %shift_left3A_803 : vector<512x64xi32>
    %bitcast_convert_type3A = tpu.bitcast %or3A_804 : vector<512x64xi32> -> vector<512x64xf32>
    %swap3A_805 = arith.constant 0 : index
    %swap3A_806 = arith.constant 0 : index
    %swap3A_807 = vector.load %arg7[%swap3A_805, %swap3A_806] : memref<512x64xf32, #tpu.memory_space<vmem>>, vector<512x64xf32>
    tpu.vector_store %arg7[%swap3A_805, %swap3A_806], %bitcast_convert_type3A {strides = array<i32>} : memref<512x64xf32, #tpu.memory_space<vmem>>, vector<512x64xf32>,
    %broadcast_in_dim3A_808 = vector.shape_cast %reduce_min3A_778 : vector<512xi32> to vector<512x1xi32>
    %swap3A_809 = arith.constant 0 : index
    %swap3A_810 = arith.constant 0 : index
    %swap3A_811 = vector.load %arg8[%swap3A_809, %swap3A_810] : memref<512x1xi32, #tpu.memory_space<vmem>>, vector<512x1xi32>
    tpu.vector_store %arg8[%swap3A_809, %swap3A_810], %broadcast_in_dim3A_808 {strides = array<i32>} : memref<512x1xi32, #tpu.memory_space<vmem>>, vector<512x1xi32>,
    %sub3A = arith.subf %get3A_395, %bitcast_convert_type3A : vector<512x64xf32>
    %jit3A_812 = arith.constant 2 : i32
    %eq3A_813 = arith.constant 0 : i32
    %eq3A_814 = arith.cmpi eq, %jit3A_812, %eq3A_813 : i32
    %jit3A_815 = arith.constant 1 : i32
    %select_n3A_816 = arith.select %eq3A_814, %jit3A_815, %jit3A_812 : i32
    %rem3A_817 = arith.remsi %arg0, %select_n3A_816 : i32
    %ne3A_818 = arith.constant 0 : i32
    %ne3A_819 = arith.cmpi ne, %rem3A_817, %ne3A_818 : i32
    %lt3A_820 = arith.constant 0 : i32
    %lt3A_821 = arith.cmpi slt, %rem3A_817, %lt3A_820 : i32
    %lt3A_822 = arith.constant 0 : i32
    %lt3A_823 = arith.cmpi slt, %select_n3A_816, %lt3A_822 : i32
    %ne3A_824 = arith.xori %lt3A_821, %lt3A_823 : i1
    %and3A_825 = arith.andi %ne3A_824, %ne3A_819 : i1
    %add3A_826 = arith.addi %rem3A_817, %select_n3A_816 : i32
    %select_n3A_827 = arith.select %and3A_825, %add3A_826, %rem3A_817 : i32
    %swap3A_828 = arith.index_cast %select_n3A_827 : i32 to index
    %swap3A_829 = arith.constant 0 : index
    %swap3A_830 = arith.constant 0 : index
    %swap3A_831 = vector.load %arg10[%swap3A_828, %swap3A_829, %swap3A_830] : memref<2x512x64xf32, #tpu.memory_space<vmem>>, vector<1x512x64xf32>
    %swap3A_832 = vector.shape_cast %swap3A_831 : vector<1x512x64xf32> to vector<512x64xf32>
    %swap3A_833 = vector.shape_cast %sub3A : vector<512x64xf32> to vector<1x512x64xf32>
    tpu.vector_store %arg10[%swap3A_828, %swap3A_829, %swap3A_830], %swap3A_833 {strides = array<i32>} : memref<2x512x64xf32, #tpu.memory_space<vmem>>, vector<1x512x64xf32>,
    return
  }
  func.func @transform_0(%arg0: i32) -> (i32, i32) {
    %min3A = arith.constant 63 : i32
    %min3A_0 = arith.minsi %arg0, %min3A : i32
    %c0_i32 = arith.constant 0 : i32
    %c0_i32_1 = arith.constant 0 : i32
    return %min3A_0, %c0_i32 : i32, i32
  }
  func.func @transform_1(%arg0: i32) -> (i32, i32) {
    %c0_i32 = arith.constant 0 : i32
    %c0_i32_0 = arith.constant 0 : i32
    %c0_i32_1 = arith.constant 0 : i32
    return %c0_i32, %c0_i32_0 : i32, i32
  }
  func.func @transform_2(%arg0: i32) -> (i32, i32) {
    %c0_i32 = arith.constant 0 : i32
    %c0_i32_0 = arith.constant 0 : i32
    %c0_i32_1 = arith.constant 0 : i32
    return %c0_i32, %c0_i32_0 : i32, i32
  }
  func.func @transform_3(%arg0: i32) -> (i32, i32) {
    %c0_i32 = arith.constant 0 : i32
    %c0_i32_0 = arith.constant 0 : i32
    %c0_i32_1 = arith.constant 0 : i32
    return %c0_i32, %c0_i32_0 : i32, i32
  }
  func.func @transform_4(%arg0: i32) -> (i32, i32) {
    %c0_i32 = arith.constant 0 : i32
    %c0_i32_0 = arith.constant 0 : i32
    %c0_i32_1 = arith.constant 0 : i32
    return %c0_i32, %c0_i32_0 : i32, i32
  }
  func.func @transform_5(%arg0: i32) -> (i32, i32) {
    %c0_i32 = arith.constant 0 : i32
    %c0_i32_0 = arith.constant 0 : i32
    %c0_i32_1 = arith.constant 0 : i32
    return %c0_i32, %c0_i32_0 : i32, i32
  }
  func.func @transform_6(%arg0: i32) -> (i32, i32) {
    %min3A = arith.constant 63 : i32
    %min3A_0 = arith.minsi %arg0, %min3A : i32
    %c0_i32 = arith.constant 0 : i32
    %c0_i32_1 = arith.constant 0 : i32
    return %min3A_0, %c0_i32 : i32, i32
  }
  func.func @transform_7(%arg0: i32) -> (i32, i32) {
    %min3A = arith.constant 63 : i32
    %min3A_0 = arith.minsi %arg0, %min3A : i32
    %c0_i32 = arith.constant 0 : i32
    %c0_i32_1 = arith.constant 0 : i32
    return %min3A_0, %c0_i32 : i32, i32
  }
  func.func @transform_8(%arg0: i32) -> (i32, i32) {
    %sub3A = arith.constant 1 : i32
    %sub3A_0 = arith.subi %arg0, %sub3A : i32
    %max3A = arith.constant 0 : i32
    %max3A_1 = arith.maxsi %sub3A_0, %max3A : i32
    %c0_i32 = arith.constant 0 : i32
    %c0_i32_2 = arith.constant 0 : i32
    return %max3A_1, %c0_i32 : i32, i32
  }
}

</mosaic_0001>

<sc_bundles>
// kernel: kernel.4.cloned.1.call-start
scs
__scs_entry_jumppad:
0x0: {  	(pc) =	sbr.rel $0x88, $3  }
0x1: {  	(tag) =	ssettag $0x0;
	lr =	simm.s32 $0x1  }
0x2: {  	[smem:$0x3F9E] =	sst lr;
	_ =	strace $0xD0000000  }
0x3: {  	_ = 	snop  }
0x4: {  	_ = 	snop  }
0x5: {  	_ = 	snop  }
0x6: {  	_ = 	snop  }
0x7: {  	_ = 	snop  }
__scs_overlays_trampoline_lowered:
0x8: {  	[smem:$0x3FAD] =	sst s0  }
0x9: {  	[smem:$0x3FAE] =	sst s1  }
0xa: {  	[smem:$0x3FAF] =	sst s2  }
0xb: {  	[smem:$0x3FB0] =	sst s3  }
0xc: {  	[smem:$0x3FB1] =	sst s4  }
0xd: {  	[smem:$0x3FB2] =	sst s5  }
0xe: {  	[smem:$0x3FB3] =	sst s6  }
0xf: {  	[smem:$0x3FB4] =	sst s7  }
0x10: {  	[smem:$0x3FB5] =	sst s8  }
0x11: {  	[smem:$0x3FB6] =	sst s9;
	s0 =	simm.s32 @!p0 $0x0  }
0x12: {  	s1 =	sld [smem:$0x3F9C];
	s0 =	simm.s32 @p0 $0x1  }
0x13: {  	[smem:$0x3FB7] =	sst s0;
	s0 =	simm.s32 @!p1 $0x0  }
0x14: {  	s2 =	sld [smem:$0x3F9B];
	s0 =	simm.s32 @p1 $0x1  }
0x15: {  	[smem:$0x3FB8] =	sst s0;
	s0 =	simm.s32 @!p2 $0x0  }
0x16: {  	s3 =	sld [smem:$0x3FDB];
	s0 =	simm.s32 @p2 $0x1  }
0x17: {  	s4 =	simm.s32 $0x1BF5;
	[smem:$0x3FBA] =	sst s0  }
0x18: {  	s0 =	sld [smem:$0x3F9D];
	_ =	swait.ge [sflag:s4], $0x0  }
0x19: {  	s7 =	sld [smem:$0x3F9E]  }
0x1a: {  	s8 =	sadd.s32 $0xFFFFE003, lr  }
0x1b: {  	s9 =	sadd.s32 $0xFFFFFEF7, lr;
	s5 =	simm.s32 $0xFFFFFFFF;
	p2 =	slt.u32 s8, $0xFFFFF086  }
0x1c: {  	p1 =	slt.u32 s9, $0xF7A;
	s5 =	simm.s32 @!p2 $0x0  }
0x1d: {  	s5 =	simm.s32 @p1 $0x1;
	p0 =	seq.s32 s7, s2  }
0x1e: {  	s7 =	smul.u32 @!p0 $0xF7A, s2;
	p2 =	seq.s32 @!p0 s5, $0x0  }
0x1f: {  	s9 =	smul.u32 $0xF7A, s1;
	s8 =	simm.s32 @!p0 $0x1BF5;
	p2 =	por !p2, p0  }
0x20: {  	[sflag:s8] =	ssyncset.s32 @!p0 $0xFFFFF086;
	s6 =	sadd.s32 @!p0 s3, s7;
	s7 =	simm.s32 @!p0 $0x108  }
0x21: {  	s3 =	sadd.s32 s3, s9;
	s6 =	sadd.s32 @!p0 $0x88, s6;
	s7 =	simm.s32 @p2 $0x1082  }
0x22: {  	[simem:s7], [sflag:s8] =	dma.local @!p0 [hbm:s6], $0xF7A  }
0x23: {  	s9 =	sor.u32 $0xD0000000, s2;
	s6 =	simm.s32 $0x108;
	_ =	swait.ge @!p0 [sflag:s8], $0x0  }
0x24: {  	s3 =	sadd.s32 $0x88, s3;
	s6 =	simm.s32 @!p1 $0x1082;
	[sflag:s4] =	ssyncset.s32 $0xFFFFF086  }
0x25: {  	[simem:s6], [sflag:s4] =	dma.local [hbm:s3], $0xF7A  }
0x26: {  	[smem:$0x3F9E] =	sst s1;
	(tag) =	ssettag s2;
	_ =	strace s9  }
0x27: {  	s1 =	sld [smem:$0x3FAE]  }
0x28: {  	s2 =	sld [smem:$0x3FAF]  }
0x29: {  	s4 =	sld [smem:$0x3FB1]  }
0x2a: {  	p0 =	seq.s32 s5, $0x0;
	s5 =	sld [smem:$0x3FB2]  }
0x2b: {  	s6 =	sld [smem:$0x3FB3]  }
0x2c: {  	s7 =	sld [smem:$0x3FB4]  }
0x2d: {  	s3 =	simm.s32 $0x108;
	s8 =	sld [smem:$0x3FB5]  }
0x2e: {  	s3 =	simm.s32 @!p0 $0x1082;
	s9 =	sld [smem:$0x3FB6]  }
0x2f: {  	lr =	sadd.s32 s0, s3;
	s0 =	sld [smem:$0x3FAD]  }
0x30: {  	s3 =	sld [smem:$0x3FB0]  }
0x31: {  	[smem:$0x3FB9] =	sst s10  }
0x32: {  	s10 =	sld [smem:$0x3FB7];
	_ =	sdelay $0x3  }
0x33: {  	p0 =	seq.s32 s10, $0x1;
	s10 =	sld [smem:$0x3FB9];
	_ =	sdelay $0x3  }
0x34: {  	[smem:$0x3FB9] =	sst s10  }
0x35: {  	s10 =	sld [smem:$0x3FB8];
	_ =	sdelay $0x3  }
0x36: {  	p1 =	seq.s32 s10, $0x1;
	s10 =	sld [smem:$0x3FB9];
	_ =	sdelay $0x3  }
0x37: {  	[smem:$0x3FB9] =	sst s10  }
0x38: {  	s10 =	sld [smem:$0x3FBA]  }
0x39: {  	_ = 	snop;
	(pc) =	sbr.ind lr, $3  }
0x3a: {  	_ = 	snop  }
0x3b: {  	_ = 	snop  }
0x3c: {  	p2 =	seq.s32 s10, $0x1;
	s10 =	sld [smem:$0x3FB9]  }
0x3d: {  	_ =	shalt  }
0x3e: {  	_ =	shalt  }
0x3f: {  	_ =	shalt  }
0x40: {  	_ =	shalt  }
0x41: {  	_ =	shalt  }
0x42: {  	_ =	shalt  }
0x43: {  	_ =	shalt  }
0x44: {  	_ =	shalt  }
0x45: {  	_ =	shalt  }
0x46: {  	_ =	shalt  }
0x47: {  	_ =	shalt  }
0x48: {  	_ =	shalt  }
0x49: {  	_ =	shalt  }
0x4a: {  	_ =	shalt  }
0x4b: {  	_ =	shalt  }
0x4c: {  	_ =	shalt  }
0x4d: {  	_ =	shalt  }
0x4e: {  	_ =	shalt  }
0x4f: {  	_ =	shalt  }
0x50: {  	_ =	shalt  }
0x51: {  	_ =	shalt  }
0x52: {  	_ =	shalt  }
0x53: {  	_ =	shalt  }
0x54: {  	_ =	shalt  }
0x55: {  	_ =	shalt  }
0x56: {  	_ =	shalt  }
0x57: {  	_ =	shalt  }
0x58: {  	_ =	shalt  }
0x59: {  	_ =	shalt  }
0x5a: {  	_ =	shalt  }
0x5b: {  	_ =	shalt  }
0x5c: {  	_ =	shalt  }
0x5d: {  	_ =	shalt  }
0x5e: {  	_ =	shalt  }
0x5f: {  	_ =	shalt  }
0x60: {  	_ =	shalt  }
0x61: {  	_ =	shalt  }
0x62: {  	_ =	shalt  }
0x63: {  	_ =	shalt  }
0x64: {  	_ =	shalt  }
0x65: {  	_ =	shalt  }
0x66: {  	_ =	shalt  }
0x67: {  	_ =	shalt  }
0x68: {  	_ =	shalt  }
0x69: {  	_ =	shalt  }
0x6a: {  	_ =	shalt  }
0x6b: {  	_ =	shalt  }
0x6c: {  	_ =	shalt  }
0x6d: {  	_ =	shalt  }
0x6e: {  	_ =	shalt  }
0x6f: {  	_ =	shalt  }
0x70: {  	_ =	shalt  }
0x71: {  	_ =	shalt  }
0x72: {  	_ =	shalt  }
0x73: {  	_ =	shalt  }
0x74: {  	_ =	shalt  }
0x75: {  	_ =	shalt  }
0x76: {  	_ =	shalt  }
0x77: {  	_ =	shalt  }
0x78: {  	_ =	shalt  }
0x79: {  	_ =	shalt  }
0x7a: {  	_ =	shalt  }
0x7b: {  	_ =	shalt  }
0x7c: {  	_ =	shalt  }
0x7d: {  	_ =	shalt  }
0x7e: {  	_ =	shalt  }
0x7f: {  	_ =	shalt  }
0x80: {  	_ =	shalt  }
0x81: {  	_ =	shalt  }
0x82: {  	_ =	shalt  }
0x83: {  	_ =	shalt  }
0x84: {  	_ =	shalt  }
0x85: {  	_ =	shalt  }
0x86: {  	_ =	shalt  }
0x87: {  	_ =	shalt  }
.Lfunc_end0:
.L_simem_size_0:
called_computation_lowered:
.L_overlay_start_0:
0x88: {  	s2 =	sld [smem:$0x3FD9]  }
0x89: {  	s3 =	sld [smem:$0x3FFE];
	_ =	sdelay $0x1  }
0x8a: {  	s1 =	srdreg.scid  }
0x8b: {  	s0 =	sand.u32 $0x1, s1  }
0x8c: {  	s14 =	sshll.u32 s0, $0xA;
	s2 =	sadd.s32 s3, s2  }
0x8d: {  	s2 =	sadd.s32 s2, s14  }
0x8e: {  	[smem:$0x3FC5] =	sst s2  }
0x8f: {  	_ = 	snop  }
0x90: {  	s2 =	sld [smem:$0x3FD0];
	_ =	sdelay $0x2  }
0x91: {  	s15 =	simm.s32 $0xA;
	s4 =	simm.s32 $0x10  }
0x92: {  	[smem:s4], [sflag:s15] =	dma.local [hbm:s2], $0x1  }
0x93: {  	_ =	swait.eq [sflag:s15], $0x1  }
0x94: {  	[sflag:s15] =	ssyncset.done $0x0  }
0x95: {  	s16 =	sld [smem:$0x12];
	[sflag:s15] =	ssyncadd.s32 $0xFFFFFFFF  }
0x96: {  	s17 =	sld [smem:$0x13];
	(tm) =	ssettm $0x1  }
0x97: {  	s18 =	sld [smem:$0x3FFB];
	_ =	sdelay $0x3  }
0x98: {  	_ =	strace s18  }
0x99: {  	s4 =	sld [smem:$0x3FFC];
	_ =	sdelay $0x3  }
0x9a: {  	_ =	strace s4  }
0x9b: {  	s4 =	sld [smem:$0x3FFD];
	_ =	sdelay $0x3  }
0x9c: {  	_ =	strace s4  }
0x9d: {  	_ =	strace $0x8FFFFFFF  }
0x9e: {  	s19 =	sld [smem:$0x3FDB];
	_ =	sdelay $0x1  }
0x9f: {  	s5 =	simm.s32 $_scs_section_size  }
0xa0: {  	s6 =	simm.s32 $_size__tile_overlayer_lowered;
	s7 =	simm.s32 $_tile_overlayer_lowered  }
0xa1: {  	s22 =	simm.s32 $0x1BFF;
	s21 =	sshll.u32 s7, $0x1;
	s4 =	sadd.s32 s5, s19  }
0xa2: {  	s8 =	simm.s32 $0x0;
	s20 =	sshll.u32 s6, $0x1;
	s6 =	sadd.s32 s21, s4  }
0xa3: {  	[timem:s8], [sflag:s22] =	dma.local [hbm:s6], s20  }
0xa4: {  	_ =	swait.ge [sflag:s22], s20  }
0xa5: {  	s5 =	ssub.s32 $0x0, s20;
	[sflag:s22] =	ssyncset.done $0x0  }
0xa6: {  	[sflag:s22] =	ssyncadd.s32 s5;
	_ =	sdelay $0x1  }
0xa7: {  	s23 =	simm.s32 $0x1B8B  }
0xa8: {  	_ =	swait.ge [sflag:s23], $0x1  }
0xa9: {  	[sflag:s23] =	ssyncset.done $0x0  }
0xaa: {  	s25 =	simm.s32 $0x1B8E;
	s24 =	sld [smem:$0x3FFE];
	[sflag:s23] =	ssyncadd.s32 $0xFFFFFFFF  }
0xab: {  	s26 =	simm.s32 $execute0_lowered;
	[smem:$0x3FD2] =	sst s25  }
0xac: {  	s6 =	sshll.u32 s26, $0x1;
	_ =	strace $0x80000046;
	[dreg:$0x1] =	wrdreg $0xFFFFFFFF  }
0xad: {  	s28 =	simm.s32 $_size_execute0_lowered;
	s4 =	sadd.s32 s4, s6;
	[dreg:$0x0] =	wrdreg $0x0  }
0xae: {  	s6 =	sshll.u32 s28, $0x1;
	[dreg:$0x2] =	wrdreg s4  }
0xaf: {  	[dreg:$0x3] =	wrdreg s6  }
0xb0: {  	[dreg:$0x4] =	wrdreg $0xC0  }
0xb1: {  	_ =	task [dreg:s8], $0x5FFFF  }
0xb2: {  	[dreg:$0x1] =	wrdreg $0xFFFFFFFF  }
0xb3: {  	[dreg:$0x0] =	wrdreg $0x60  }
0xb4: {  	[dreg:$0x2] =	wrdreg s16  }
0xb5: {  	[dreg:$0x3] =	wrdreg s17  }
0xb6: {  	[dreg:$0x4] =	wrdreg s24  }
0xb7: {  	[dreg:$0x5] =	wrdreg $0x9  }
0xb8: {  	_ =	task.clear_ibuf [dreg:s8], $0x6FFFF;
	_ =	strace $0x90000046  }
0xb9: {  	s29 =	simm.s32 $0x9;
	_ =	strace $0x80000048  }
0xba: {  	_ =	swait.ge [sflag:s29], $0x1  }
0xbb: {  	[sflag:s29] =	ssyncadd.s32 $0xFFFFFFFF  }
0xbc: {  	_ =	strace $0x90000048  }
0xbd: {  	_ =	sfence  }
0xbe: {  	s30 =	sld [smem:$0x0];
	_ =	sdelay $0x2  }
0xbf: {  	s31 =	sshll.u32 s1, $0xD;
	s1 =	sshrl.u32 s1, $0x2  }
0xc0: {  	s3 =	sand.u32 $0x4000, s31;
	s1 =	sadd.s32 s1, s30  }
0xc1: {  	s0 =	sor.u32 s3, s0;
	s1 =	sshll.u32 s1, $0x11  }
0xc2: {  	s0 =	sor.u32 s1, s0  }
0xc3: {  	s0 =	sadd.s32 $0x8F2B, s0  }
0xc4: {  	[sflag:s0] =	ssyncadd.remote.s32 $0x1  }
0xc5: {  	_ =	sfence.sel $0xFFFF  }
0xc6: {  	[dreg:$0x0] =	wrdreg $0xFFFFFFFF;
	(pc) =	sbr.abs _section_cstart, $3  }
0xc7: {  	[dreg:$0x1] =	wrdreg $0xFFFFFFFF  }
0xc8: {  	_ =	task.clear_ibuf [dreg:s8], $0x2FFFF;
	_ =	strace $0x9FFFFFFF  }
0xc9: {  	(tm) =	ssettm $0x7FFFFFFF  }
tec
execute0_lowered:
.L_overlay_start_1:
0x0: {  	(tag) =	ssettag $0x1  }
0x1: {  	s1 =	rddreg [dreg:$0x0];
	s2 =	srdreg.scid  }
0x2: {  	s9 =	rddreg [dreg:$0x1];
	s0 =	stileid.u32;
	s10 =	sand.u32 $0x1, s2  }
0x3: {  	s11 =	rddreg [dreg:$0x2];
	s4 =	sshll.u32 s0, $0xB;
	s5 =	sshll.u32 s10, $0xA  }
0x4: {  	s3 =	simm.s32 $0x0;
	s2 =	rddreg [dreg:$0x3];
	s12 =	sor.u32 s5, s4  }
0x5: {  	[smem:$0x7FF] =	sst s3;
	s4 =	sshrl.u32 s12, $0x3  }
0x6: {  	_ =	strace $0x80000047;
	s5 =	sadd.s32 s9, s4;
	s4 =	simm.s32 $0x2  }
0x7: {  	[tilespmem:s3], [sflag:$0x2] =	stream.linear.gather [hbm4b:s5+s3], $0x200, $0x38;
	[tilespmem:$0x10200] =	vst v63  }
0x8: {  	_ =	swait.ge [sflag:s4], $0x200  }
0x9: {  	[sflag:s4] =	ssyncset.done $0x0  }
0xa: {  	s6 =	simm.s32 $0x200;
	s7 =	simm.s32 $0x1;
	[sflag:s4] =	ssyncadd.s32 $0xFFFFFE00  }
0xb: {  	[tilespmem:s6], [sflag:$0x1] =	stream.indirect.gather [hbm4b:s1+s6], $0x80, s3, s6, $0xb8;
	[tilespmem:$0x10200] =	vst v63  }
0xc: {  	_ =	swait.ge [sflag:s7], $0x10000  }
0xd: {  	s8 =	sshll.u32 s12, $0x4;
	[sflag:s7] =	ssyncset.done $0x0  }
0xe: {  	s8 =	sadd.s32 s11, s8;
	[sflag:s7] =	ssyncadd.s32 $0xFFFF0000  }
0xf: {  	[hbm4b:s8+s3] =	stream.linear.scatter [tilespmem:s6], [sflag:$0x2], $0x10000, $0x38;
	[tilespmem:$0x10200] =	vst v63  }
0x10: {  	s12 =	sor.u32 $0x200, s12;
	_ =	swait.ge [sflag:s4], $0x10000  }
0x11: {  	s13 =	sshrl.u32 s12, $0x3;
	[sflag:s4] =	ssyncset.done $0x0  }
0x12: {  	s10 =	ssub.s32 $0x2, s10;
	s9 =	sadd.s32 s9, s13;
	[sflag:s4] =	ssyncadd.s32 $0xFFFF0000  }
0x13: {  	[tilespmem:s3], [sflag:$0x2] =	stream.linear.gather [hbm4b:s9+s3], $0x200, $0x38;
	[tilespmem:$0x10200] =	vst v63  }
0x14: {  	s29 =	sshrl.u32 s10, $0x1;
	_ =	swait.ge [sflag:s4], $0x200  }
0x15: {  	s13 =	ssub.s32 s10, s29;
	[sflag:s4] =	ssyncset.done $0x0  }
0x16: {  	s31 =	smax.u32 s13, $0x1;
	[sflag:s4] =	ssyncadd.s32 $0xFFFFFE00  }
0x17: {  	[tilespmem:s6], [sflag:$0x1] =	stream.indirect.gather [hbm4b:s1+s6], $0x80, s3, s6, $0xb8;
	[tilespmem:$0x10200] =	vst v63  }
0x18: {  	p0 =	sne.s32 s31, $0x1;
	_ =	swait.ge [sflag:s7], $0x10000  }
.Ltmp0:
0x19: {  	s30 =	sshll.u32 s12, $0x4;
	[sflag:s7] =	ssyncset.done $0x0;
	(pc) =	sbr.rel @!p0 .LBB2_2-.Ltmp0, $4  }
0x1a: {  	s10 =	sadd.s32 s11, s30;
	[sflag:s7] =	ssyncadd.s32 $0xFFFF0000  }
0x1b: {  	[hbm4b:s10+s3] =	stream.linear.scatter [tilespmem:s6], [sflag:$0x2], $0x10000, $0x38;
	[tilespmem:$0x10200] =	vst v63  }
0x1c: {  	_ =	swait.ge [sflag:s4], $0x10000  }
0x1d: {  	s11 =	sadd.s32 $0xFFFFFFFF, s31;
	[sflag:s4] =	ssyncset.done $0x0  }
.LBB2_1:
0x1e: {  	p0 =	sne.s32 s11, $0x1;
	s11 =	sadd.s32 $0xFFFFFFFF, s11;
	[sflag:s4] =	ssyncadd.s32 $0xFFFF0000  }
0x1f: {  	[tilespmem:s3], [sflag:$0x2] =	stream.linear.gather [hbm4b:s5+s3], $0x200, $0x38;
	[tilespmem:$0x10200] =	vst v63  }
0x20: {  	_ =	swait.ge [sflag:s4], $0x200  }
0x21: {  	[sflag:s4] =	ssyncset.done $0x0  }
0x22: {  	[sflag:s4] =	ssyncadd.s32 $0xFFFFFE00  }
0x23: {  	[tilespmem:s6], [sflag:$0x1] =	stream.indirect.gather [hbm4b:s1+s6], $0x80, s3, s6, $0xb8;
	[tilespmem:$0x10200] =	vst v63  }
0x24: {  	_ =	swait.ge [sflag:s7], $0x10000  }
0x25: {  	[sflag:s7] =	ssyncset.done $0x0  }
0x26: {  	[sflag:s7] =	ssyncadd.s32 $0xFFFF0000  }
0x27: {  	[hbm4b:s8+s3] =	stream.linear.scatter [tilespmem:s6], [sflag:$0x2], $0x10000, $0x38;
	[tilespmem:$0x10200] =	vst v63  }
0x28: {  	_ =	swait.ge [sflag:s4], $0x10000  }
0x29: {  	[sflag:s4] =	ssyncset.done $0x0  }
0x2a: {  	[sflag:s4] =	ssyncadd.s32 $0xFFFF0000  }
0x2b: {  	[tilespmem:s3], [sflag:$0x2] =	stream.linear.gather [hbm4b:s9+s3], $0x200, $0x38;
	[tilespmem:$0x10200] =	vst v63  }
0x2c: {  	_ =	swait.ge [sflag:s4], $0x200  }
0x2d: {  	[sflag:s4] =	ssyncset.done $0x0  }
0x2e: {  	[sflag:s4] =	ssyncadd.s32 $0xFFFFFE00  }
0x2f: {  	[tilespmem:s6], [sflag:$0x1] =	stream.indirect.gather [hbm4b:s1+s6], $0x80, s3, s6, $0xb8;
	[tilespmem:$0x10200] =	vst v63  }
0x30: {  	_ =	swait.ge [sflag:s7], $0x10000  }
.Ltmp1:
0x31: {  	[sflag:s7] =	ssyncset.done $0x0;
	(pc) =	sbr.rel @p0 .LBB2_1-.Ltmp1, $4  }
0x32: {  	[sflag:s7] =	ssyncadd.s32 $0xFFFF0000  }
0x33: {  	[hbm4b:s10+s3] =	stream.linear.scatter [tilespmem:s6], [sflag:$0x2], $0x10000, $0x38;
	[tilespmem:$0x10200] =	vst v63  }
0x34: {  	_ =	swait.ge [sflag:s4], $0x10000  }
0x35: {  	[sflag:s4] =	ssyncset.done $0x0  }
.LBB2_2:
0x36: {  	[sflag:s4] =	ssyncadd.s32 $0xFFFF0000  }
0x37: {  	_ =	sfence.sel $0x180000  }
0x38: {  	[bflag:$0x0] =	sbarrier.arrive $0xFFFF  }
0x39: {  	p0 =	sne.s32 s0, $0x0;
	_ =	strace $0x90000047  }
0x3a: {  	s0 =	sadd.s32 @!p0 $0x100000, s2;
	[bflag:$0x2] =	sbarrier.arrive $0xFFFF  }
0x3b: {  	[sflag:s0] =	ssyncadd.tile.s32 @!p0 $0x1;
	_ =	shalt  }
.Lfunc_end2:
_tile_overlayer_lowered:
.L_overlay_start_2:
0x3c: {  	(tag) =	ssettag $0x2  }
0x3d: {  	s0 =	rddreg [dreg:$0x0];
	s2 =	stileid.u32  }
0x3e: {  	s1 =	rddreg [dreg:$0x1];
	p0 =	sne.s32 s2, $0x0  }
0x3f: {  	s3 =	rddreg [dreg:$0x2];
	[bflag:$0x3] =	sbarrier.arrive $0xFFFF;
	s2 =	simm.s32 @!p0 $0x1C02  }
0x40: {  	[timem:s3], [sflag:s2] =	dma.local @!p0 [hbm:s0], s1  }
0x41: {  	s0 =	simm.s32 @!p0 $0x2  }
0x42: {  	_ =	swait.ge @!p0 [sflag:s0], s1  }
0x43: {  	s1 =	ssub.s32 @!p0 $0x0, s1;
	[sflag:s0] =	ssyncset.done @!p0 $0x0  }
0x44: {  	[sflag:s0] =	ssyncadd.s32 @!p0 s1  }
0x45: {  	[bflag:$0x3] =	sbarrier.arrive $0xFFFF  }
0x46: {  	_ =	shalt  }

</sc_bundles>
